<compile_context>
chip_gen: v7x
topology: tpu7x:2x2x1
jax: 0.10.2.dev20260603
libtpu: 0.0.44.dev20260713+nightly
codegen_flags: <defaults>
</compile_context>

<pallas_src>
import functools

import jax
import jax.numpy as jnp
from jax import lax
from jax.experimental import pallas as pl
from jax.experimental.pallas import tpu as pltpu
from jax.experimental.pallas import tpu_sc as plsc

NC = 2
NS = 16
LANES = 16
NW = NC * NS


def _table_body(x_ref, w_ref, y_ref):
    y_ref[0] = jnp.dot(x_ref[...], w_ref[0], preferred_element_type=jnp.float32)


def _index_body(t_ref, s_ref, d_ref, g1_ref, g2_ref, *, n, r):
    t = t_ref[...]
    g1_ref[...] = t * n + s_ref[...]
    g2_ref[...] = (t + r) * n + d_ref[...]


def _combine_body(a_ref, b_ref, o_ref):
    o_ref[...] = a_ref[0] + b_ref[0]


def kernel(edge_index, edge_type, embeddings, weights, biases):
    N, H = embeddings.shape
    L = weights.shape[0]
    RD = weights.shape[1]
    R = RD // 2
    E = edge_type.shape[0]

    w_last = weights[L - 1]
    b_last = biases[L - 1]
    KA = H + 8
    x_aug = jnp.concatenate(
        [embeddings,
         jnp.ones((N, 1), jnp.float32),
         jnp.zeros((N, KA - H - 1), jnp.float32)], axis=1)
    w_aug = jnp.concatenate(
        [w_last,
         b_last[:, None, :],
         jnp.zeros((RD, KA - H - 1, H), jnp.float32)], axis=1)

    NB = 10
    BN = N // NB
    y = pl.pallas_call(
        _table_body,
        grid=(RD, NB),
        in_specs=[
            pl.BlockSpec((BN, KA), lambda rd, nb: (nb, 0)),
            pl.BlockSpec((1, KA, H), lambda rd, nb: (rd, 0, 0)),
        ],
        out_specs=pl.BlockSpec((1, BN, H), lambda rd, nb: (rd, nb, 0)),
        out_shape=jax.ShapeDtypeStruct((RD, N, H), jnp.float32),
    )(x_aug, w_aug)
    y_flat = y.reshape(RD * N, H)

    EB = E // 128
    t2 = edge_type.reshape(EB, 128)
    s2 = edge_index[0].reshape(EB, 128)
    d2 = edge_index[1].reshape(EB, 128)
    g1, g2 = pl.pallas_call(
        functools.partial(_index_body, n=N, r=R),
        out_shape=(jax.ShapeDtypeStruct((EB, 128), jnp.int32),
                   jax.ShapeDtypeStruct((EB, 128), jnp.int32)),
    )(t2, s2, d2)

    M = 2 * E
    K = 96
    CT = -(-M // (NW * K))
    CT = CT + (CT % 2)
    MP = CT * NW * K
    pad = MP - M
    g_all = jnp.concatenate(
        [g1.reshape(-1), g2.reshape(-1), jnp.zeros((pad,), jnp.int32)])
    s_all = jnp.concatenate(
        [edge_index[1], edge_index[0], jnp.full((pad,), N, jnp.int32)])

    ZC = 128
    OUTR = -(-(N + 1) // (NS * 8)) * 8
    NACC = NS * OUTR

    mesh = plsc.VectorSubcoreMesh(
        core_axis_name="c", subcore_axis_name="s",
        num_cores=NC, num_subcores=NS)

    @functools.partial(
        pl.kernel,
        out_type=jax.ShapeDtypeStruct((NC, NACC, H), jnp.float32),
        mesh=mesh,
        scratch_types=[
            pltpu.VMEM((K,), jnp.int32),
            pltpu.VMEM((K,), jnp.int32),
            pltpu.VMEM((K,), jnp.int32),
            pltpu.VMEM((K,), jnp.int32),
            pltpu.VMEM((K, H), jnp.float32),
            pltpu.VMEM((K, H), jnp.float32),
            pltpu.VMEM_SHARED((NACC, H), jnp.float32),
            pltpu.SemaphoreType.DMA,
            pltpu.SemaphoreType.DMA,
        ],
    )
    def sc_scatter(y_hbm, g_hbm, s_hbm, z_hbm, out_hbm,
                   gbuf0, sbuf0, gbuf1, sbuf1, rows0, rows1, acc,
                   gsem0, gsem1):
        cid = lax.axis_index("c")
        sid = lax.axis_index("s")
        wid = cid * NS + sid

        for z in range(OUTR // ZC):
            pltpu.sync_copy(z_hbm, acc.at[pl.ds(sid * OUTR + z * ZC, ZC), :])
        zr = OUTR % ZC
        if zr:
            pltpu.sync_copy(
                z_hbm.at[pl.ds(0, zr)],
                acc.at[pl.ds(sid * OUTR + (OUTR // ZC) * ZC, zr), :])
        plsc.subcore_barrier()

        def idx_copy(c, gb, sb):
            base = (c * NW + wid) * K
            pltpu.sync_copy(g_hbm.at[pl.ds(base, K)], gb)
            pltpu.sync_copy(s_hbm.at[pl.ds(base, K)], sb)

        def g_start(gb, rb, sem):
            pltpu.async_copy(y_hbm.at[gb], rb, sem)

        def g_wait(rb, sem):
            pltpu.make_async_copy(y_hbm.at[pl.ds(0, K)], rb, sem).wait()

        def scat(rb, sb):
            pltpu.sync_copy(rb, acc.at[sb], add=True)

        idx_copy(0, gbuf0, sbuf0)
        g_start(gbuf0, rows0, gsem0)

        def pair(j, carry):
            c = 2 * j
            idx_copy(c + 1, gbuf1, sbuf1)
            g_start(gbuf1, rows1, gsem1)
            g_wait(rows0, gsem0)
            scat(rows0, sbuf0)
            idx_copy(c + 2, gbuf0, sbuf0)
            g_start(gbuf0, rows0, gsem0)
            g_wait(rows1, gsem1)
            scat(rows1, sbuf1)
            return carry

        lax.fori_loop(0, (CT - 2) // 2, pair, 0)

        idx_copy(CT - 1, gbuf1, sbuf1)
        g_start(gbuf1, rows1, gsem1)
        g_wait(rows0, gsem0)
        scat(rows0, sbuf0)
        g_wait(rows1, gsem1)
        scat(rows1, sbuf1)

        plsc.subcore_barrier()

        pltpu.sync_copy(
            acc.at[pl.ds(sid * OUTR, OUTR), :],
            out_hbm.at[cid, pl.ds(sid * OUTR, OUTR), :])

    partials = sc_scatter(
        y_flat, g_all, s_all, jnp.zeros((ZC, H), jnp.float32))

    out = pl.pallas_call(
        _combine_body,
        grid=(NB,),
        in_specs=[
            pl.BlockSpec((1, BN, H), lambda i: (0, i, 0)),
            pl.BlockSpec((1, BN, H), lambda i: (1, i, 0)),
        ],
        out_specs=pl.BlockSpec((BN, H), lambda i: (i, 0)),
        out_shape=jax.ShapeDtypeStruct((N, H), jnp.float32),
    )(partials, partials)
    return out

# --- scband reference (transcript-rebuilt; emitter-appended) ---
"""Pipeline reference for scband-rgcnencoder-12498354831444 (READ-ONLY COPY).

The authoritative reference and input builder live on the scoring server;
editing this copy changes nothing except your own understanding.
"""

import jax, jax.numpy as jnp
import numpy as np

N = 10000
H = 128
R = 4
L = 3
E_EDGES = 320000


def setup_inputs(seed: int = 0) -> dict:
    key = jax.random.key(seed)
    k1, k2, k3, k4, k5 = jax.random.split(key, 5)
    edge_index = jax.random.randint(k1, (2, E_EDGES), 0, N, dtype=jnp.int32)
    edge_type = jax.random.randint(k2, (E_EDGES,), 0, R, dtype=jnp.int32)
    embeddings = jax.random.normal(k3, (N, H), dtype=jnp.float32)
    weights = jax.random.normal(k4, (L, 2 * R, H, H), dtype=jnp.float32)
    biases = jax.random.normal(k5, (L, 2 * R, H), dtype=jnp.float32)
    return {
        "edge_index": edge_index,
        "edge_type": edge_type,
        "embeddings": embeddings,
        "weights": weights,
        "biases": biases,
    }


def reference(edge_index, edge_type, embeddings, weights, biases):
    # Faithful translation of RGCNEncoder.forward. Note: the original code resets
    # hidden = self.embeddings at the top of every layer iteration, so every layer's
    # messages are computed from the raw embeddings and the returned value is the
    # last layer's aggregated output. We replicate that behavior exactly.
    num_nodes = embeddings.shape[0]
    hidden = embeddings
    for l in range(L):
        hidden = embeddings
        output = jnp.zeros_like(hidden)
        for d in (1, -1):
            layer_messages = []
            layer_dests = []
            for r in range(R):
                mask = edge_type == r
                dests = edge_index[1]
                sources = edge_index[0]
                if d > 0:
                    messages = hidden[sources] @ weights[l, r] + biases[l, r]
                    layer_messages.append(messages)
                    layer_dests.append(jnp.where(mask, dests, num_nodes))
                else:
                    messages = hidden[dests] @ weights[l, r + R] + biases[l, r + R]
                    layer_messages.append(messages)
                    layer_dests.append(jnp.where(mask, sources, num_nodes))
            messages = jnp.vstack(layer_messages)
            dst_idx = jnp.hstack(layer_dests)
            output = output + jax.ops.segment_sum(
                messages, dst_idx, num_segments=num_nodes + 1
            )[:num_nodes]
        if l + 1 < L:
            hidden = jax.nn.relu(hidden)
        hidden = output
    return hidden

if __name__ == "__main__":
    import jax
    _d = setup_inputs()
    print(jax.jit(kernel)(*tuple(_d.values())))

</pallas_src>

<mosaic_0001>
#map = affine_map<(d0, d1) -> (0, 0)>
#map1 = affine_map<(d0, d1) -> (0)>
#map2 = affine_map<(d0, d1) -> (0, 0, 0)>
module attributes {stable_mosaic.version = 14 : i64} {
  func.func @sc_scatter(%arg0: i32, %arg1: i32, %arg2: memref<80000x128xf32, #tpu.memory_space<hbm>>, %arg3: memref<645120xi32, #tpu.memory_space<hbm>>, %arg4: memref<645120xi32, #tpu.memory_space<hbm>>, %arg5: memref<128x128xf32, #tpu.memory_space<hbm>>, %arg6: memref<2x10112x128xf32, #tpu.memory_space<hbm>>, %arg7: memref<96xi32, #tpu.memory_space<vmem>>, %arg8: memref<96xi32, #tpu.memory_space<vmem>>, %arg9: memref<96xi32, #tpu.memory_space<vmem>>, %arg10: memref<96xi32, #tpu.memory_space<vmem>>, %arg11: memref<96x128xf32, #tpu.memory_space<vmem>>, %arg12: memref<96x128xf32, #tpu.memory_space<vmem>>, %arg13: memref<10112x128xf32, #tpu.memory_space<vmem_shared>>, %arg14: memref<!tpu.dma_semaphore, #tpu.memory_space<semaphore_mem>>, %arg15: memref<!tpu.dma_semaphore, #tpu.memory_space<semaphore_mem>>) attributes {dimension_semantics = [#tpu.dimension_semantics<core_parallel>, #tpu.dimension_semantics<subcore_parallel>], iteration_bounds = array<i64: 2, 16>, scalar_prefetch = 0 : i64, scratch_operands = 9 : i64, tpu.core_type = #tpu.core_type<sc_vector_subcore>, window_params = [{transform_indices = #map}, {transform_indices = #map1}, {transform_indices = #map1}, {transform_indices = #map}, {transform_indices = #map2}]} {
    %mul3A = arith.constant 16 : i32
    %mul3A_0 = arith.muli %arg0, %mul3A : i32
    %add3A = arith.addi %mul3A_0, %arg1 : i32
    %mul3A_1 = arith.constant 632 : i32
    %mul3A_2 = arith.muli %arg1, %mul3A_1 : i32
    %add3A_3 = arith.constant 0 : i32
    %add3A_4 = arith.addi %mul3A_2, %add3A_3 : i32
    "tpu.region"() ({
      %run_scoped3A = tpu.sem_alloc : memref<!tpu.dma_semaphore, #tpu.memory_space<semaphore_mem>>
      %dma_start3A_55 = arith.constant 0 : i32
      %dma_start3A_56 = tpu.memref_slice %arg13[%add3A_4, %dma_start3A_55] : memref<10112x128xf32, #tpu.memory_space<vmem_shared>> -> memref<128x128xf32, #tpu.memory_space<vmem_shared>>
      tpu.enqueue_dma source(%arg5 : memref<128x128xf32, #tpu.memory_space<hbm>>) target(%dma_start3A_56 : memref<128x128xf32, #tpu.memory_space<vmem_shared>>) target_semaphore(%run_scoped3A : memref<!tpu.dma_semaphore, #tpu.memory_space<semaphore_mem>>)
      %dma_wait3A_57 = arith.constant 0 : i32
      %dma_wait3A_58 = tpu.memref_slice %arg13[%add3A_4, %dma_wait3A_57] : memref<10112x128xf32, #tpu.memory_space<vmem_shared>> -> memref<128x128xf32, #tpu.memory_space<vmem_shared>>
      tpu.wait_dma2 semaphore(%run_scoped3A : memref<!tpu.dma_semaphore, #tpu.memory_space<semaphore_mem>>) src(%arg5 : memref<128x128xf32, #tpu.memory_space<hbm>>) dst(%dma_wait3A_58 : memref<128x128xf32, #tpu.memory_space<vmem_shared>>)
      tpu.yield
    }) : () -> ()
    %mul3A_5 = arith.constant 632 : i32
    %mul3A_6 = arith.muli %arg1, %mul3A_5 : i32
    %add3A_7 = arith.constant 128 : i32
    %add3A_8 = arith.addi %mul3A_6, %add3A_7 : i32
    "tpu.region"() ({
      %run_scoped3A = tpu.sem_alloc : memref<!tpu.dma_semaphore, #tpu.memory_space<semaphore_mem>>
      %dma_start3A_55 = arith.constant 0 : i32
      %dma_start3A_56 = tpu.memref_slice %arg13[%add3A_8, %dma_start3A_55] : memref<10112x128xf32, #tpu.memory_space<vmem_shared>> -> memref<128x128xf32, #tpu.memory_space<vmem_shared>>
      tpu.enqueue_dma source(%arg5 : memref<128x128xf32, #tpu.memory_space<hbm>>) target(%dma_start3A_56 : memref<128x128xf32, #tpu.memory_space<vmem_shared>>) target_semaphore(%run_scoped3A : memref<!tpu.dma_semaphore, #tpu.memory_space<semaphore_mem>>)
      %dma_wait3A_57 = arith.constant 0 : i32
      %dma_wait3A_58 = tpu.memref_slice %arg13[%add3A_8, %dma_wait3A_57] : memref<10112x128xf32, #tpu.memory_space<vmem_shared>> -> memref<128x128xf32, #tpu.memory_space<vmem_shared>>
      tpu.wait_dma2 semaphore(%run_scoped3A : memref<!tpu.dma_semaphore, #tpu.memory_space<semaphore_mem>>) src(%arg5 : memref<128x128xf32, #tpu.memory_space<hbm>>) dst(%dma_wait3A_58 : memref<128x128xf32, #tpu.memory_space<vmem_shared>>)
      tpu.yield
    }) : () -> ()
    %mul3A_9 = arith.constant 632 : i32
    %mul3A_10 = arith.muli %arg1, %mul3A_9 : i32
    %add3A_11 = arith.constant 256 : i32
    %add3A_12 = arith.addi %mul3A_10, %add3A_11 : i32
    "tpu.region"() ({
      %run_scoped3A = tpu.sem_alloc : memref<!tpu.dma_semaphore, #tpu.memory_space<semaphore_mem>>
      %dma_start3A_55 = arith.constant 0 : i32
      %dma_start3A_56 = tpu.memref_slice %arg13[%add3A_12, %dma_start3A_55] : memref<10112x128xf32, #tpu.memory_space<vmem_shared>> -> memref<128x128xf32, #tpu.memory_space<vmem_shared>>
      tpu.enqueue_dma source(%arg5 : memref<128x128xf32, #tpu.memory_space<hbm>>) target(%dma_start3A_56 : memref<128x128xf32, #tpu.memory_space<vmem_shared>>) target_semaphore(%run_scoped3A : memref<!tpu.dma_semaphore, #tpu.memory_space<semaphore_mem>>)
      %dma_wait3A_57 = arith.constant 0 : i32
      %dma_wait3A_58 = tpu.memref_slice %arg13[%add3A_12, %dma_wait3A_57] : memref<10112x128xf32, #tpu.memory_space<vmem_shared>> -> memref<128x128xf32, #tpu.memory_space<vmem_shared>>
      tpu.wait_dma2 semaphore(%run_scoped3A : memref<!tpu.dma_semaphore, #tpu.memory_space<semaphore_mem>>) src(%arg5 : memref<128x128xf32, #tpu.memory_space<hbm>>) dst(%dma_wait3A_58 : memref<128x128xf32, #tpu.memory_space<vmem_shared>>)
      tpu.yield
    }) : () -> ()
    %mul3A_13 = arith.constant 632 : i32
    %mul3A_14 = arith.muli %arg1, %mul3A_13 : i32
    %add3A_15 = arith.constant 384 : i32
    %add3A_16 = arith.addi %mul3A_14, %add3A_15 : i32
    "tpu.region"() ({
      %run_scoped3A = tpu.sem_alloc : memref<!tpu.dma_semaphore, #tpu.memory_space<semaphore_mem>>
      %dma_start3A_55 = arith.constant 0 : i32
      %dma_start3A_56 = tpu.memref_slice %arg13[%add3A_16, %dma_start3A_55] : memref<10112x128xf32, #tpu.memory_space<vmem_shared>> -> memref<128x128xf32, #tpu.memory_space<vmem_shared>>
      tpu.enqueue_dma source(%arg5 : memref<128x128xf32, #tpu.memory_space<hbm>>) target(%dma_start3A_56 : memref<128x128xf32, #tpu.memory_space<vmem_shared>>) target_semaphore(%run_scoped3A : memref<!tpu.dma_semaphore, #tpu.memory_space<semaphore_mem>>)
      %dma_wait3A_57 = arith.constant 0 : i32
      %dma_wait3A_58 = tpu.memref_slice %arg13[%add3A_16, %dma_wait3A_57] : memref<10112x128xf32, #tpu.memory_space<vmem_shared>> -> memref<128x128xf32, #tpu.memory_space<vmem_shared>>
      tpu.wait_dma2 semaphore(%run_scoped3A : memref<!tpu.dma_semaphore, #tpu.memory_space<semaphore_mem>>) src(%arg5 : memref<128x128xf32, #tpu.memory_space<hbm>>) dst(%dma_wait3A_58 : memref<128x128xf32, #tpu.memory_space<vmem_shared>>)
      tpu.yield
    }) : () -> ()
    %mul3A_17 = arith.constant 632 : i32
    %mul3A_18 = arith.muli %arg1, %mul3A_17 : i32
    %add3A_19 = arith.constant 512 : i32
    %add3A_20 = arith.addi %mul3A_18, %add3A_19 : i32
    "tpu.region"() ({
      %run_scoped3A = tpu.sem_alloc : memref<!tpu.dma_semaphore, #tpu.memory_space<semaphore_mem>>
      %dma_start3A_55 = arith.constant 0 : i32
      %dma_start3A_56 = tpu.memref_slice %arg13[%add3A_20, %dma_start3A_55] : memref<10112x128xf32, #tpu.memory_space<vmem_shared>> -> memref<120x128xf32, #tpu.memory_space<vmem_shared>>
      %dma_start3A_57 = arith.constant 0 : i32
      %dma_start3A_58 = arith.constant 0 : i32
      %dma_start3A_59 = tpu.memref_slice %arg5[%dma_start3A_57, %dma_start3A_58] : memref<128x128xf32, #tpu.memory_space<hbm>> -> memref<120x128xf32, #tpu.memory_space<hbm>>
      tpu.enqueue_dma source(%dma_start3A_59 : memref<120x128xf32, #tpu.memory_space<hbm>>) target(%dma_start3A_56 : memref<120x128xf32, #tpu.memory_space<vmem_shared>>) target_semaphore(%run_scoped3A : memref<!tpu.dma_semaphore, #tpu.memory_space<semaphore_mem>>)
      %dma_wait3A_60 = arith.constant 0 : i32
      %dma_wait3A_61 = tpu.memref_slice %arg13[%add3A_20, %dma_wait3A_60] : memref<10112x128xf32, #tpu.memory_space<vmem_shared>> -> memref<120x128xf32, #tpu.memory_space<vmem_shared>>
      %dma_wait3A_62 = arith.constant 0 : i32
      %dma_wait3A_63 = arith.constant 0 : i32
      %dma_wait3A_64 = tpu.memref_slice %arg5[%dma_wait3A_62, %dma_wait3A_63] : memref<128x128xf32, #tpu.memory_space<hbm>> -> memref<120x128xf32, #tpu.memory_space<hbm>>
      tpu.wait_dma2 semaphore(%run_scoped3A : memref<!tpu.dma_semaphore, #tpu.memory_space<semaphore_mem>>) src(%dma_wait3A_64 : memref<120x128xf32, #tpu.memory_space<hbm>>) dst(%dma_wait3A_61 : memref<120x128xf32, #tpu.memory_space<vmem_shared>>)
      tpu.yield
    }) : () -> ()
    %barrier3A = arith.constant 0 : index
    tpu.barrier barrier_id(%barrier3A)
    %add3A_21 = arith.constant 0 : i32
    %add3A_22 = arith.addi %add3A_21, %add3A : i32
    %mul3A_23 = arith.constant 96 : i32
    %mul3A_24 = arith.muli %add3A_22, %mul3A_23 : i32
    "tpu.region"() ({
      %run_scoped3A = tpu.sem_alloc : memref<!tpu.dma_semaphore, #tpu.memory_space<semaphore_mem>>
      %dma_start3A_55 = tpu.memref_slice %arg3[%mul3A_24] : memref<645120xi32, #tpu.memory_space<hbm>> -> memref<96xi32, #tpu.memory_space<hbm>>
      %dma_start3A_56 = tpu.memref_slice %arg3[%mul3A_24] : memref<645120xi32, #tpu.memory_space<hbm>> -> memref<96xi32, #tpu.memory_space<hbm>>
      tpu.enqueue_dma source(%dma_start3A_56 : memref<96xi32, #tpu.memory_space<hbm>>) target(%arg7 : memref<96xi32, #tpu.memory_space<vmem>>) target_semaphore(%run_scoped3A : memref<!tpu.dma_semaphore, #tpu.memory_space<semaphore_mem>>)
      %dma_wait3A_57 = tpu.memref_slice %arg3[%mul3A_24] : memref<645120xi32, #tpu.memory_space<hbm>> -> memref<96xi32, #tpu.memory_space<hbm>>
      %dma_wait3A_58 = tpu.memref_slice %arg3[%mul3A_24] : memref<645120xi32, #tpu.memory_space<hbm>> -> memref<96xi32, #tpu.memory_space<hbm>>
      tpu.wait_dma2 semaphore(%run_scoped3A : memref<!tpu.dma_semaphore, #tpu.memory_space<semaphore_mem>>) src(%dma_wait3A_58 : memref<96xi32, #tpu.memory_space<hbm>>) dst(%arg7 : memref<96xi32, #tpu.memory_space<vmem>>)
      tpu.yield
    }) : () -> ()
    "tpu.region"() ({
      %run_scoped3A = tpu.sem_alloc : memref<!tpu.dma_semaphore, #tpu.memory_space<semaphore_mem>>
      %dma_start3A_55 = tpu.memref_slice %arg4[%mul3A_24] : memref<645120xi32, #tpu.memory_space<hbm>> -> memref<96xi32, #tpu.memory_space<hbm>>
      %dma_start3A_56 = tpu.memref_slice %arg4[%mul3A_24] : memref<645120xi32, #tpu.memory_space<hbm>> -> memref<96xi32, #tpu.memory_space<hbm>>
      tpu.enqueue_dma source(%dma_start3A_56 : memref<96xi32, #tpu.memory_space<hbm>>) target(%arg8 : memref<96xi32, #tpu.memory_space<vmem>>) target_semaphore(%run_scoped3A : memref<!tpu.dma_semaphore, #tpu.memory_space<semaphore_mem>>)
      %dma_wait3A_57 = tpu.memref_slice %arg4[%mul3A_24] : memref<645120xi32, #tpu.memory_space<hbm>> -> memref<96xi32, #tpu.memory_space<hbm>>
      %dma_wait3A_58 = tpu.memref_slice %arg4[%mul3A_24] : memref<645120xi32, #tpu.memory_space<hbm>> -> memref<96xi32, #tpu.memory_space<hbm>>
      tpu.wait_dma2 semaphore(%run_scoped3A : memref<!tpu.dma_semaphore, #tpu.memory_space<semaphore_mem>>) src(%dma_wait3A_58 : memref<96xi32, #tpu.memory_space<hbm>>) dst(%arg8 : memref<96xi32, #tpu.memory_space<vmem>>)
      tpu.yield
    }) : () -> ()
    %dma_start3A = arith.constant 0 : i32
    %dma_start3A_25 = arith.constant 0 : i32
    %dma_start3A_26 = tpu.memref_slice %arg2[%dma_start3A, %dma_start3A_25] : memref<80000x128xf32, #tpu.memory_space<hbm>> -> memref<80000x128xf32, #tpu.memory_space<hbm>>
    tpu.enqueue_indirect_dma source(%dma_start3A_26 : memref<80000x128xf32, #tpu.memory_space<hbm>>) target(%arg11 : memref<96x128xf32, #tpu.memory_space<vmem>>) offsets(%arg7 : memref<96xi32, #tpu.memory_space<vmem>>) semaphore(%arg14 : memref<!tpu.dma_semaphore, #tpu.memory_space<semaphore_mem>>)
    %scan3A = arith.constant 0 : i32
    %scan3A_27 = arith.constant 0 : i32
    %scan3A_28 = arith.constant 104 : i32
    %scan3A_29 = arith.addi %scan3A_27, %scan3A_28 : i32
    %scan3A_30 = arith.constant 1 : i32
    scf.for %scan3A_55 = %scan3A_27 to %scan3A_29 step %scan3A_30  : i32 {
      %mul3A_56 = arith.constant 2 : i32
      %mul3A_57 = arith.muli %mul3A_56, %scan3A_55 : i32
      %add3A_58 = arith.constant 1 : i32
      %add3A_59 = arith.addi %mul3A_57, %add3A_58 : i32
      %mul3A_60 = arith.constant 32 : i32
      %mul3A_61 = arith.muli %add3A_59, %mul3A_60 : i32
      %add3A_62 = arith.addi %mul3A_61, %add3A : i32
      %mul3A_63 = arith.constant 96 : i32
      %mul3A_64 = arith.muli %add3A_62, %mul3A_63 : i32
      "tpu.region"() ({
        %run_scoped3A = tpu.sem_alloc : memref<!tpu.dma_semaphore, #tpu.memory_space<semaphore_mem>>
        %dma_start3A_90 = tpu.memref_slice %arg3[%mul3A_64] : memref<645120xi32, #tpu.memory_space<hbm>> -> memref<96xi32, #tpu.memory_space<hbm>>
        %dma_start3A_91 = tpu.memref_slice %arg3[%mul3A_64] : memref<645120xi32, #tpu.memory_space<hbm>> -> memref<96xi32, #tpu.memory_space<hbm>>
        tpu.enqueue_dma source(%dma_start3A_91 : memref<96xi32, #tpu.memory_space<hbm>>) target(%arg9 : memref<96xi32, #tpu.memory_space<vmem>>) target_semaphore(%run_scoped3A : memref<!tpu.dma_semaphore, #tpu.memory_space<semaphore_mem>>)
        %dma_wait3A_92 = tpu.memref_slice %arg3[%mul3A_64] : memref<645120xi32, #tpu.memory_space<hbm>> -> memref<96xi32, #tpu.memory_space<hbm>>
        %dma_wait3A_93 = tpu.memref_slice %arg3[%mul3A_64] : memref<645120xi32, #tpu.memory_space<hbm>> -> memref<96xi32, #tpu.memory_space<hbm>>
        tpu.wait_dma2 semaphore(%run_scoped3A : memref<!tpu.dma_semaphore, #tpu.memory_space<semaphore_mem>>) src(%dma_wait3A_93 : memref<96xi32, #tpu.memory_space<hbm>>) dst(%arg9 : memref<96xi32, #tpu.memory_space<vmem>>)
        tpu.yield
      }) : () -> ()
      "tpu.region"() ({
        %run_scoped3A = tpu.sem_alloc : memref<!tpu.dma_semaphore, #tpu.memory_space<semaphore_mem>>
        %dma_start3A_90 = tpu.memref_slice %arg4[%mul3A_64] : memref<645120xi32, #tpu.memory_space<hbm>> -> memref<96xi32, #tpu.memory_space<hbm>>
        %dma_start3A_91 = tpu.memref_slice %arg4[%mul3A_64] : memref<645120xi32, #tpu.memory_space<hbm>> -> memref<96xi32, #tpu.memory_space<hbm>>
        tpu.enqueue_dma source(%dma_start3A_91 : memref<96xi32, #tpu.memory_space<hbm>>) target(%arg10 : memref<96xi32, #tpu.memory_space<vmem>>) target_semaphore(%run_scoped3A : memref<!tpu.dma_semaphore, #tpu.memory_space<semaphore_mem>>)
        %dma_wait3A_92 = tpu.memref_slice %arg4[%mul3A_64] : memref<645120xi32, #tpu.memory_space<hbm>> -> memref<96xi32, #tpu.memory_space<hbm>>
        %dma_wait3A_93 = tpu.memref_slice %arg4[%mul3A_64] : memref<645120xi32, #tpu.memory_space<hbm>> -> memref<96xi32, #tpu.memory_space<hbm>>
        tpu.wait_dma2 semaphore(%run_scoped3A : memref<!tpu.dma_semaphore, #tpu.memory_space<semaphore_mem>>) src(%dma_wait3A_93 : memref<96xi32, #tpu.memory_space<hbm>>) dst(%arg10 : memref<96xi32, #tpu.memory_space<vmem>>)
        tpu.yield
      }) : () -> ()
      %dma_start3A_65 = arith.constant 0 : i32
      %dma_start3A_66 = arith.constant 0 : i32
      %dma_start3A_67 = tpu.memref_slice %arg2[%dma_start3A_65, %dma_start3A_66] : memref<80000x128xf32, #tpu.memory_space<hbm>> -> memref<80000x128xf32, #tpu.memory_space<hbm>>
      tpu.enqueue_indirect_dma source(%dma_start3A_67 : memref<80000x128xf32, #tpu.memory_space<hbm>>) target(%arg12 : memref<96x128xf32, #tpu.memory_space<vmem>>) offsets(%arg9 : memref<96xi32, #tpu.memory_space<vmem>>) semaphore(%arg15 : memref<!tpu.dma_semaphore, #tpu.memory_space<semaphore_mem>>)
      %dma_wait3A_68 = arith.constant 0 : i32
      %dma_wait3A_69 = arith.constant 0 : i32
      %dma_wait3A_70 = tpu.memref_slice %arg2[%dma_wait3A_68, %dma_wait3A_69] : memref<80000x128xf32, #tpu.memory_space<hbm>> -> memref<96x128xf32, #tpu.memory_space<hbm>>
      %dma_wait3A_71 = arith.constant 0 : i32
      %dma_wait3A_72 = arith.constant 0 : i32
      %dma_wait3A_73 = tpu.memref_slice %arg2[%dma_wait3A_71, %dma_wait3A_72] : memref<80000x128xf32, #tpu.memory_space<hbm>> -> memref<96x128xf32, #tpu.memory_space<hbm>>
      tpu.wait_dma2 semaphore(%arg14 : memref<!tpu.dma_semaphore, #tpu.memory_space<semaphore_mem>>) src(%dma_wait3A_73 : memref<96x128xf32, #tpu.memory_space<hbm>>) dst(%arg11 : memref<96x128xf32, #tpu.memory_space<vmem>>)
      "tpu.region"() ({
        %run_scoped3A = tpu.sem_alloc : memref<!tpu.dma_semaphore, #tpu.memory_space<semaphore_mem>>
        %dma_start3A_90 = arith.constant 0 : i32
        %dma_start3A_91 = arith.constant 0 : i32
        %dma_start3A_92 = tpu.memref_slice %arg13[%dma_start3A_90, %dma_start3A_91] : memref<10112x128xf32, #tpu.memory_space<vmem_shared>> -> memref<10112x128xf32, #tpu.memory_space<vmem_shared>>
        tpu.enqueue_indirect_dma source(%arg11 : memref<96x128xf32, #tpu.memory_space<vmem>>) target(%dma_start3A_92 : memref<10112x128xf32, #tpu.memory_space<vmem_shared>>) offsets(%arg8 : memref<96xi32, #tpu.memory_space<vmem>>) semaphore(%run_scoped3A : memref<!tpu.dma_semaphore, #tpu.memory_space<semaphore_mem>>) {add = true}
        %dma_wait3A_93 = arith.constant 0 : i32
        %dma_wait3A_94 = arith.constant 0 : i32
        %dma_wait3A_95 = tpu.memref_slice %arg13[%dma_wait3A_93, %dma_wait3A_94] : memref<10112x128xf32, #tpu.memory_space<vmem_shared>> -> memref<10112x128xf32, #tpu.memory_space<vmem_shared>>
        tpu.wait_indirect_dma semaphore(%run_scoped3A : memref<!tpu.dma_semaphore, #tpu.memory_space<semaphore_mem>>) src(%arg11 : memref<96x128xf32, #tpu.memory_space<vmem>>) dst(%dma_wait3A_95 : memref<10112x128xf32, #tpu.memory_space<vmem_shared>>)
        tpu.yield
      }) : () -> ()
      %add3A_74 = arith.constant 2 : i32
      %add3A_75 = arith.addi %mul3A_57, %add3A_74 : i32
      %mul3A_76 = arith.constant 32 : i32
      %mul3A_77 = arith.muli %add3A_75, %mul3A_76 : i32
      %add3A_78 = arith.addi %mul3A_77, %add3A : i32
      %mul3A_79 = arith.constant 96 : i32
      %mul3A_80 = arith.muli %add3A_78, %mul3A_79 : i32
      "tpu.region"() ({
        %run_scoped3A = tpu.sem_alloc : memref<!tpu.dma_semaphore, #tpu.memory_space<semaphore_mem>>
        %dma_start3A_90 = tpu.memref_slice %arg3[%mul3A_80] : memref<645120xi32, #tpu.memory_space<hbm>> -> memref<96xi32, #tpu.memory_space<hbm>>
        %dma_start3A_91 = tpu.memref_slice %arg3[%mul3A_80] : memref<645120xi32, #tpu.memory_space<hbm>> -> memref<96xi32, #tpu.memory_space<hbm>>
        tpu.enqueue_dma source(%dma_start3A_91 : memref<96xi32, #tpu.memory_space<hbm>>) target(%arg7 : memref<96xi32, #tpu.memory_space<vmem>>) target_semaphore(%run_scoped3A : memref<!tpu.dma_semaphore, #tpu.memory_space<semaphore_mem>>)
        %dma_wait3A_92 = tpu.memref_slice %arg3[%mul3A_80] : memref<645120xi32, #tpu.memory_space<hbm>> -> memref<96xi32, #tpu.memory_space<hbm>>
        %dma_wait3A_93 = tpu.memref_slice %arg3[%mul3A_80] : memref<645120xi32, #tpu.memory_space<hbm>> -> memref<96xi32, #tpu.memory_space<hbm>>
        tpu.wait_dma2 semaphore(%run_scoped3A : memref<!tpu.dma_semaphore, #tpu.memory_space<semaphore_mem>>) src(%dma_wait3A_93 : memref<96xi32, #tpu.memory_space<hbm>>) dst(%arg7 : memref<96xi32, #tpu.memory_space<vmem>>)
        tpu.yield
      }) : () -> ()
      "tpu.region"() ({
        %run_scoped3A = tpu.sem_alloc : memref<!tpu.dma_semaphore, #tpu.memory_space<semaphore_mem>>
        %dma_start3A_90 = tpu.memref_slice %arg4[%mul3A_80] : memref<645120xi32, #tpu.memory_space<hbm>> -> memref<96xi32, #tpu.memory_space<hbm>>
        %dma_start3A_91 = tpu.memref_slice %arg4[%mul3A_80] : memref<645120xi32, #tpu.memory_space<hbm>> -> memref<96xi32, #tpu.memory_space<hbm>>
        tpu.enqueue_dma source(%dma_start3A_91 : memref<96xi32, #tpu.memory_space<hbm>>) target(%arg8 : memref<96xi32, #tpu.memory_space<vmem>>) target_semaphore(%run_scoped3A : memref<!tpu.dma_semaphore, #tpu.memory_space<semaphore_mem>>)
        %dma_wait3A_92 = tpu.memref_slice %arg4[%mul3A_80] : memref<645120xi32, #tpu.memory_space<hbm>> -> memref<96xi32, #tpu.memory_space<hbm>>
        %dma_wait3A_93 = tpu.memref_slice %arg4[%mul3A_80] : memref<645120xi32, #tpu.memory_space<hbm>> -> memref<96xi32, #tpu.memory_space<hbm>>
        tpu.wait_dma2 semaphore(%run_scoped3A : memref<!tpu.dma_semaphore, #tpu.memory_space<semaphore_mem>>) src(%dma_wait3A_93 : memref<96xi32, #tpu.memory_space<hbm>>) dst(%arg8 : memref<96xi32, #tpu.memory_space<vmem>>)
        tpu.yield
      }) : () -> ()
      %dma_start3A_81 = arith.constant 0 : i32
      %dma_start3A_82 = arith.constant 0 : i32
      %dma_start3A_83 = tpu.memref_slice %arg2[%dma_start3A_81, %dma_start3A_82] : memref<80000x128xf32, #tpu.memory_space<hbm>> -> memref<80000x128xf32, #tpu.memory_space<hbm>>
      tpu.enqueue_indirect_dma source(%dma_start3A_83 : memref<80000x128xf32, #tpu.memory_space<hbm>>) target(%arg11 : memref<96x128xf32, #tpu.memory_space<vmem>>) offsets(%arg7 : memref<96xi32, #tpu.memory_space<vmem>>) semaphore(%arg14 : memref<!tpu.dma_semaphore, #tpu.memory_space<semaphore_mem>>)
      %dma_wait3A_84 = arith.constant 0 : i32
      %dma_wait3A_85 = arith.constant 0 : i32
      %dma_wait3A_86 = tpu.memref_slice %arg2[%dma_wait3A_84, %dma_wait3A_85] : memref<80000x128xf32, #tpu.memory_space<hbm>> -> memref<96x128xf32, #tpu.memory_space<hbm>>
      %dma_wait3A_87 = arith.constant 0 : i32
      %dma_wait3A_88 = arith.constant 0 : i32
      %dma_wait3A_89 = tpu.memref_slice %arg2[%dma_wait3A_87, %dma_wait3A_88] : memref<80000x128xf32, #tpu.memory_space<hbm>> -> memref<96x128xf32, #tpu.memory_space<hbm>>
      tpu.wait_dma2 semaphore(%arg15 : memref<!tpu.dma_semaphore, #tpu.memory_space<semaphore_mem>>) src(%dma_wait3A_89 : memref<96x128xf32, #tpu.memory_space<hbm>>) dst(%arg12 : memref<96x128xf32, #tpu.memory_space<vmem>>)
      "tpu.region"() ({
        %run_scoped3A = tpu.sem_alloc : memref<!tpu.dma_semaphore, #tpu.memory_space<semaphore_mem>>
        %dma_start3A_90 = arith.constant 0 : i32
        %dma_start3A_91 = arith.constant 0 : i32
        %dma_start3A_92 = tpu.memref_slice %arg13[%dma_start3A_90, %dma_start3A_91] : memref<10112x128xf32, #tpu.memory_space<vmem_shared>> -> memref<10112x128xf32, #tpu.memory_space<vmem_shared>>
        tpu.enqueue_indirect_dma source(%arg12 : memref<96x128xf32, #tpu.memory_space<vmem>>) target(%dma_start3A_92 : memref<10112x128xf32, #tpu.memory_space<vmem_shared>>) offsets(%arg10 : memref<96xi32, #tpu.memory_space<vmem>>) semaphore(%run_scoped3A : memref<!tpu.dma_semaphore, #tpu.memory_space<semaphore_mem>>) {add = true}
        %dma_wait3A_93 = arith.constant 0 : i32
        %dma_wait3A_94 = arith.constant 0 : i32
        %dma_wait3A_95 = tpu.memref_slice %arg13[%dma_wait3A_93, %dma_wait3A_94] : memref<10112x128xf32, #tpu.memory_space<vmem_shared>> -> memref<10112x128xf32, #tpu.memory_space<vmem_shared>>
        tpu.wait_indirect_dma semaphore(%run_scoped3A : memref<!tpu.dma_semaphore, #tpu.memory_space<semaphore_mem>>) src(%arg12 : memref<96x128xf32, #tpu.memory_space<vmem>>) dst(%dma_wait3A_95 : memref<10112x128xf32, #tpu.memory_space<vmem_shared>>)
        tpu.yield
      }) : () -> ()
    }
    %scan3A_31 = arith.constant 104 : i32
    %add3A_32 = arith.constant 6688 : i32
    %add3A_33 = arith.addi %add3A_32, %add3A : i32
    %mul3A_34 = arith.constant 96 : i32
    %mul3A_35 = arith.muli %add3A_33, %mul3A_34 : i32
    "tpu.region"() ({
      %run_scoped3A = tpu.sem_alloc : memref<!tpu.dma_semaphore, #tpu.memory_space<semaphore_mem>>
      %dma_start3A_55 = tpu.memref_slice %arg3[%mul3A_35] : memref<645120xi32, #tpu.memory_space<hbm>> -> memref<96xi32, #tpu.memory_space<hbm>>
      %dma_start3A_56 = tpu.memref_slice %arg3[%mul3A_35] : memref<645120xi32, #tpu.memory_space<hbm>> -> memref<96xi32, #tpu.memory_space<hbm>>
      tpu.enqueue_dma source(%dma_start3A_56 : memref<96xi32, #tpu.memory_space<hbm>>) target(%arg9 : memref<96xi32, #tpu.memory_space<vmem>>) target_semaphore(%run_scoped3A : memref<!tpu.dma_semaphore, #tpu.memory_space<semaphore_mem>>)
      %dma_wait3A_57 = tpu.memref_slice %arg3[%mul3A_35] : memref<645120xi32, #tpu.memory_space<hbm>> -> memref<96xi32, #tpu.memory_space<hbm>>
      %dma_wait3A_58 = tpu.memref_slice %arg3[%mul3A_35] : memref<645120xi32, #tpu.memory_space<hbm>> -> memref<96xi32, #tpu.memory_space<hbm>>
      tpu.wait_dma2 semaphore(%run_scoped3A : memref<!tpu.dma_semaphore, #tpu.memory_space<semaphore_mem>>) src(%dma_wait3A_58 : memref<96xi32, #tpu.memory_space<hbm>>) dst(%arg9 : memref<96xi32, #tpu.memory_space<vmem>>)
      tpu.yield
    }) : () -> ()
    "tpu.region"() ({
      %run_scoped3A = tpu.sem_alloc : memref<!tpu.dma_semaphore, #tpu.memory_space<semaphore_mem>>
      %dma_start3A_55 = tpu.memref_slice %arg4[%mul3A_35] : memref<645120xi32, #tpu.memory_space<hbm>> -> memref<96xi32, #tpu.memory_space<hbm>>
      %dma_start3A_56 = tpu.memref_slice %arg4[%mul3A_35] : memref<645120xi32, #tpu.memory_space<hbm>> -> memref<96xi32, #tpu.memory_space<hbm>>
      tpu.enqueue_dma source(%dma_start3A_56 : memref<96xi32, #tpu.memory_space<hbm>>) target(%arg10 : memref<96xi32, #tpu.memory_space<vmem>>) target_semaphore(%run_scoped3A : memref<!tpu.dma_semaphore, #tpu.memory_space<semaphore_mem>>)
      %dma_wait3A_57 = tpu.memref_slice %arg4[%mul3A_35] : memref<645120xi32, #tpu.memory_space<hbm>> -> memref<96xi32, #tpu.memory_space<hbm>>
      %dma_wait3A_58 = tpu.memref_slice %arg4[%mul3A_35] : memref<645120xi32, #tpu.memory_space<hbm>> -> memref<96xi32, #tpu.memory_space<hbm>>
      tpu.wait_dma2 semaphore(%run_scoped3A : memref<!tpu.dma_semaphore, #tpu.memory_space<semaphore_mem>>) src(%dma_wait3A_58 : memref<96xi32, #tpu.memory_space<hbm>>) dst(%arg10 : memref<96xi32, #tpu.memory_space<vmem>>)
      tpu.yield
    }) : () -> ()
    %dma_start3A_36 = arith.constant 0 : i32
    %dma_start3A_37 = arith.constant 0 : i32
    %dma_start3A_38 = tpu.memref_slice %arg2[%dma_start3A_36, %dma_start3A_37] : memref<80000x128xf32, #tpu.memory_space<hbm>> -> memref<80000x128xf32, #tpu.memory_space<hbm>>
    tpu.enqueue_indirect_dma source(%dma_start3A_38 : memref<80000x128xf32, #tpu.memory_space<hbm>>) target(%arg12 : memref<96x128xf32, #tpu.memory_space<vmem>>) offsets(%arg9 : memref<96xi32, #tpu.memory_space<vmem>>) semaphore(%arg15 : memref<!tpu.dma_semaphore, #tpu.memory_space<semaphore_mem>>)
    %dma_wait3A = arith.constant 0 : i32
    %dma_wait3A_39 = arith.constant 0 : i32
    %dma_wait3A_40 = tpu.memref_slice %arg2[%dma_wait3A, %dma_wait3A_39] : memref<80000x128xf32, #tpu.memory_space<hbm>> -> memref<96x128xf32, #tpu.memory_space<hbm>>
    %dma_wait3A_41 = arith.constant 0 : i32
    %dma_wait3A_42 = arith.constant 0 : i32
    %dma_wait3A_43 = tpu.memref_slice %arg2[%dma_wait3A_41, %dma_wait3A_42] : memref<80000x128xf32, #tpu.memory_space<hbm>> -> memref<96x128xf32, #tpu.memory_space<hbm>>
    tpu.wait_dma2 semaphore(%arg14 : memref<!tpu.dma_semaphore, #tpu.memory_space<semaphore_mem>>) src(%dma_wait3A_43 : memref<96x128xf32, #tpu.memory_space<hbm>>) dst(%arg11 : memref<96x128xf32, #tpu.memory_space<vmem>>)
    "tpu.region"() ({
      %run_scoped3A = tpu.sem_alloc : memref<!tpu.dma_semaphore, #tpu.memory_space<semaphore_mem>>
      %dma_start3A_55 = arith.constant 0 : i32
      %dma_start3A_56 = arith.constant 0 : i32
      %dma_start3A_57 = tpu.memref_slice %arg13[%dma_start3A_55, %dma_start3A_56] : memref<10112x128xf32, #tpu.memory_space<vmem_shared>> -> memref<10112x128xf32, #tpu.memory_space<vmem_shared>>
      tpu.enqueue_indirect_dma source(%arg11 : memref<96x128xf32, #tpu.memory_space<vmem>>) target(%dma_start3A_57 : memref<10112x128xf32, #tpu.memory_space<vmem_shared>>) offsets(%arg8 : memref<96xi32, #tpu.memory_space<vmem>>) semaphore(%run_scoped3A : memref<!tpu.dma_semaphore, #tpu.memory_space<semaphore_mem>>) {add = true}
      %dma_wait3A_58 = arith.constant 0 : i32
      %dma_wait3A_59 = arith.constant 0 : i32
      %dma_wait3A_60 = tpu.memref_slice %arg13[%dma_wait3A_58, %dma_wait3A_59] : memref<10112x128xf32, #tpu.memory_space<vmem_shared>> -> memref<10112x128xf32, #tpu.memory_space<vmem_shared>>
      tpu.wait_indirect_dma semaphore(%run_scoped3A : memref<!tpu.dma_semaphore, #tpu.memory_space<semaphore_mem>>) src(%arg11 : memref<96x128xf32, #tpu.memory_space<vmem>>) dst(%dma_wait3A_60 : memref<10112x128xf32, #tpu.memory_space<vmem_shared>>)
      tpu.yield
    }) : () -> ()
    %dma_wait3A_44 = arith.constant 0 : i32
    %dma_wait3A_45 = arith.constant 0 : i32
    %dma_wait3A_46 = tpu.memref_slice %arg2[%dma_wait3A_44, %dma_wait3A_45] : memref<80000x128xf32, #tpu.memory_space<hbm>> -> memref<96x128xf32, #tpu.memory_space<hbm>>
    %dma_wait3A_47 = arith.constant 0 : i32
    %dma_wait3A_48 = arith.constant 0 : i32
    %dma_wait3A_49 = tpu.memref_slice %arg2[%dma_wait3A_47, %dma_wait3A_48] : memref<80000x128xf32, #tpu.memory_space<hbm>> -> memref<96x128xf32, #tpu.memory_space<hbm>>
    tpu.wait_dma2 semaphore(%arg15 : memref<!tpu.dma_semaphore, #tpu.memory_space<semaphore_mem>>) src(%dma_wait3A_49 : memref<96x128xf32, #tpu.memory_space<hbm>>) dst(%arg12 : memref<96x128xf32, #tpu.memory_space<vmem>>)
    "tpu.region"() ({
      %run_scoped3A = tpu.sem_alloc : memref<!tpu.dma_semaphore, #tpu.memory_space<semaphore_mem>>
      %dma_start3A_55 = arith.constant 0 : i32
      %dma_start3A_56 = arith.constant 0 : i32
      %dma_start3A_57 = tpu.memref_slice %arg13[%dma_start3A_55, %dma_start3A_56] : memref<10112x128xf32, #tpu.memory_space<vmem_shared>> -> memref<10112x128xf32, #tpu.memory_space<vmem_shared>>
      tpu.enqueue_indirect_dma source(%arg12 : memref<96x128xf32, #tpu.memory_space<vmem>>) target(%dma_start3A_57 : memref<10112x128xf32, #tpu.memory_space<vmem_shared>>) offsets(%arg10 : memref<96xi32, #tpu.memory_space<vmem>>) semaphore(%run_scoped3A : memref<!tpu.dma_semaphore, #tpu.memory_space<semaphore_mem>>) {add = true}
      %dma_wait3A_58 = arith.constant 0 : i32
      %dma_wait3A_59 = arith.constant 0 : i32
      %dma_wait3A_60 = tpu.memref_slice %arg13[%dma_wait3A_58, %dma_wait3A_59] : memref<10112x128xf32, #tpu.memory_space<vmem_shared>> -> memref<10112x128xf32, #tpu.memory_space<vmem_shared>>
      tpu.wait_indirect_dma semaphore(%run_scoped3A : memref<!tpu.dma_semaphore, #tpu.memory_space<semaphore_mem>>) src(%arg12 : memref<96x128xf32, #tpu.memory_space<vmem>>) dst(%dma_wait3A_60 : memref<10112x128xf32, #tpu.memory_space<vmem_shared>>)
      tpu.yield
    }) : () -> ()
    %barrier3A_50 = arith.constant 0 : index
    tpu.barrier barrier_id(%barrier3A_50)
    %mul3A_51 = arith.constant 632 : i32
    %mul3A_52 = arith.muli %arg1, %mul3A_51 : i32
    %mul3A_53 = arith.constant 632 : i32
    %mul3A_54 = arith.muli %arg1, %mul3A_53 : i32
    "tpu.region"() ({
      %run_scoped3A = tpu.sem_alloc : memref<!tpu.dma_semaphore, #tpu.memory_space<semaphore_mem>>
      %dma_start3A_55 = arith.constant 0 : i32
      %dma_start3A_56 = tpu.memref_slice %arg6[%arg0, %mul3A_54, %dma_start3A_55] : memref<2x10112x128xf32, #tpu.memory_space<hbm>> -> memref<1x632x128xf32, #tpu.memory_space<hbm>>
      %dma_start3A_57 = tpu.memref_squeeze %dma_start3A_56 : memref<1x632x128xf32, #tpu.memory_space<hbm>> -> memref<632x128xf32, #tpu.memory_space<hbm>>
      %dma_start3A_58 = arith.constant 0 : i32
      %dma_start3A_59 = tpu.memref_slice %arg13[%mul3A_52, %dma_start3A_58] : memref<10112x128xf32, #tpu.memory_space<vmem_shared>> -> memref<632x128xf32, #tpu.memory_space<vmem_shared>>
      tpu.enqueue_dma source(%dma_start3A_59 : memref<632x128xf32, #tpu.memory_space<vmem_shared>>) target(%dma_start3A_57 : memref<632x128xf32, #tpu.memory_space<hbm>>) target_semaphore(%run_scoped3A : memref<!tpu.dma_semaphore, #tpu.memory_space<semaphore_mem>>)
      %dma_wait3A_60 = arith.constant 0 : i32
      %dma_wait3A_61 = tpu.memref_slice %arg6[%arg0, %mul3A_54, %dma_wait3A_60] : memref<2x10112x128xf32, #tpu.memory_space<hbm>> -> memref<1x632x128xf32, #tpu.memory_space<hbm>>
      %dma_wait3A_62 = tpu.memref_squeeze %dma_wait3A_61 : memref<1x632x128xf32, #tpu.memory_space<hbm>> -> memref<632x128xf32, #tpu.memory_space<hbm>>
      %dma_wait3A_63 = arith.constant 0 : i32
      %dma_wait3A_64 = tpu.memref_slice %arg13[%mul3A_52, %dma_wait3A_63] : memref<10112x128xf32, #tpu.memory_space<vmem_shared>> -> memref<632x128xf32, #tpu.memory_space<vmem_shared>>
      tpu.wait_dma2 semaphore(%run_scoped3A : memref<!tpu.dma_semaphore, #tpu.memory_space<semaphore_mem>>) src(%dma_wait3A_64 : memref<632x128xf32, #tpu.memory_space<vmem_shared>>) dst(%dma_wait3A_62 : memref<632x128xf32, #tpu.memory_space<hbm>>)
      tpu.yield
    }) : () -> ()
    return
  }
}

module attributes {stable_mosaic.version = 14 : i64} {
  func.func @_table_body(%arg0: i32, %arg1: i32, %arg2: memref<1000x136xf32, #tpu.memory_space<vmem>>, %arg3: memref<1x136x128xf32, #tpu.memory_space<vmem>>, %arg4: memref<1x1000x128xf32, #tpu.memory_space<vmem>>) attributes {dimension_semantics = [#tpu.dimension_semantics<arbitrary>, #tpu.dimension_semantics<arbitrary>], iteration_bounds = array<i64: 8, 10>, scalar_prefetch = 0 : i64, scratch_operands = 0 : i64, tpu.core_type = #tpu.core_type<tc>, window_params = [{transform_indices = @transform_0, window_bounds = array<i64: 1000, 136>}, {transform_indices = @transform_1, window_bounds = array<i64: 1, 136, 128>}, {transform_indices = @transform_2, window_bounds = array<i64: 1, 1000, 128>}]} {
    %get3A = arith.constant 0 : index
    %get3A_0 = arith.constant 0 : index
    %get3A_1 = vector.load %arg2[%get3A, %get3A_0] : memref<1000x136xf32, #tpu.memory_space<vmem>>, vector<1000x136xf32>
    %get3A_2 = arith.constant 0 : index
    %get3A_3 = arith.constant 0 : index
    %get3A_4 = arith.constant 0 : index
    %get3A_5 = vector.load %arg3[%get3A_2, %get3A_3, %get3A_4] : memref<1x136x128xf32, #tpu.memory_space<vmem>>, vector<1x136x128xf32>
    %get3A_6 = vector.shape_cast %get3A_5 : vector<1x136x128xf32> to vector<136x128xf32>
    %dot_general3A = arith.constant dense<0.000000e+00> : vector<1000x128xf32>
    %dot_general3A_7 = tpu.matmul %get3A_1, %get3A_6, %dot_general3A {dimension_numbers = #tpu.dot_dimension_numbers<[1], [0], [0], [1], [0, 0, 1, 1], [], []>, transpose_lhs_hint = false} : vector<1000x136xf32>, vector<136x128xf32>, vector<1000x128xf32> -> vector<1000x128xf32>
    %swap3A = arith.constant 0 : index
    %swap3A_8 = arith.constant 0 : index
    %swap3A_9 = arith.constant 0 : index
    %swap3A_10 = vector.load %arg4[%swap3A, %swap3A_8, %swap3A_9] : memref<1x1000x128xf32, #tpu.memory_space<vmem>>, vector<1x1000x128xf32>
    %swap3A_11 = vector.shape_cast %swap3A_10 : vector<1x1000x128xf32> to vector<1000x128xf32>
    %swap3A_12 = vector.shape_cast %dot_general3A_7 : vector<1000x128xf32> to vector<1x1000x128xf32>
    tpu.vector_store %arg4[%swap3A, %swap3A_8, %swap3A_9], %swap3A_12 {strides = array<i32>} : memref<1x1000x128xf32, #tpu.memory_space<vmem>>, vector<1x1000x128xf32>,
    return
  }
  func.func @transform_0(%arg0: i32, %arg1: i32) -> (i32, i32) {
    %c0_i32 = arith.constant 0 : i32
    %c0_i32_0 = arith.constant 0 : i32
    return %arg1, %c0_i32 : i32, i32
  }
  func.func @transform_1(%arg0: i32, %arg1: i32) -> (i32, i32, i32) {
    %c0_i32 = arith.constant 0 : i32
    %c0_i32_0 = arith.constant 0 : i32
    %c0_i32_1 = arith.constant 0 : i32
    return %arg0, %c0_i32, %c0_i32_0 : i32, i32, i32
  }
  func.func @transform_2(%arg0: i32, %arg1: i32) -> (i32, i32, i32) {
    %c0_i32 = arith.constant 0 : i32
    %c0_i32_0 = arith.constant 0 : i32
    return %arg0, %arg1, %c0_i32 : i32, i32, i32
  }
}

module attributes {stable_mosaic.version = 14 : i64} {
  func.func @_index_body(%arg0: memref<2500x128xi32, #tpu.memory_space<vmem>>, %arg1: memref<2500x128xi32, #tpu.memory_space<vmem>>, %arg2: memref<2500x128xi32, #tpu.memory_space<vmem>>, %arg3: memref<2500x128xi32, #tpu.memory_space<vmem>>, %arg4: memref<2500x128xi32, #tpu.memory_space<vmem>>) attributes {dimension_semantics = [], scalar_prefetch = 0 : i64, scratch_operands = 0 : i64, tpu.core_type = #tpu.core_type<tc>} {
    %get3A = arith.constant 0 : index
    %get3A_0 = arith.constant 0 : index
    %get3A_1 = vector.load %arg0[%get3A, %get3A_0] : memref<2500x128xi32, #tpu.memory_space<vmem>>, vector<2500x128xi32>
    %mul3A = arith.constant 10000 : i32
    %mul3A_2 = vector.broadcast %mul3A : i32 to vector<2500x128xi32>
    %mul3A_3 = arith.muli %get3A_1, %mul3A_2 : vector<2500x128xi32>
    %get3A_4 = arith.constant 0 : index
    %get3A_5 = arith.constant 0 : index
    %get3A_6 = vector.load %arg1[%get3A_4, %get3A_5] : memref<2500x128xi32, #tpu.memory_space<vmem>>, vector<2500x128xi32>
    %add3A = arith.addi %mul3A_3, %get3A_6 : vector<2500x128xi32>
    %swap3A = arith.constant 0 : index
    %swap3A_7 = arith.constant 0 : index
    %swap3A_8 = vector.load %arg3[%swap3A, %swap3A_7] : memref<2500x128xi32, #tpu.memory_space<vmem>>, vector<2500x128xi32>
    tpu.vector_store %arg3[%swap3A, %swap3A_7], %add3A {strides = array<i32>} : memref<2500x128xi32, #tpu.memory_space<vmem>>, vector<2500x128xi32>,
    %add3A_9 = arith.constant 4 : i32
    %add3A_10 = vector.broadcast %add3A_9 : i32 to vector<2500x128xi32>
    %add3A_11 = arith.addi %get3A_1, %add3A_10 : vector<2500x128xi32>
    %mul3A_12 = arith.constant 10000 : i32
    %mul3A_13 = vector.broadcast %mul3A_12 : i32 to vector<2500x128xi32>
    %mul3A_14 = arith.muli %add3A_11, %mul3A_13 : vector<2500x128xi32>
    %get3A_15 = arith.constant 0 : index
    %get3A_16 = arith.constant 0 : index
    %get3A_17 = vector.load %arg2[%get3A_15, %get3A_16] : memref<2500x128xi32, #tpu.memory_space<vmem>>, vector<2500x128xi32>
    %add3A_18 = arith.addi %mul3A_14, %get3A_17 : vector<2500x128xi32>
    %swap3A_19 = arith.constant 0 : index
    %swap3A_20 = arith.constant 0 : index
    %swap3A_21 = vector.load %arg4[%swap3A_19, %swap3A_20] : memref<2500x128xi32, #tpu.memory_space<vmem>>, vector<2500x128xi32>
    tpu.vector_store %arg4[%swap3A_19, %swap3A_20], %add3A_18 {strides = array<i32>} : memref<2500x128xi32, #tpu.memory_space<vmem>>, vector<2500x128xi32>,
    return
  }
}

module attributes {stable_mosaic.version = 14 : i64} {
  func.func @_combine_body(%arg0: i32, %arg1: memref<1x1000x128xf32, #tpu.memory_space<vmem>>, %arg2: memref<1x1000x128xf32, #tpu.memory_space<vmem>>, %arg3: memref<1000x128xf32, #tpu.memory_space<vmem>>) attributes {dimension_semantics = [#tpu.dimension_semantics<arbitrary>], iteration_bounds = array<i64: 10>, scalar_prefetch = 0 : i64, scratch_operands = 0 : i64, tpu.core_type = #tpu.core_type<tc>, window_params = [{transform_indices = @transform_0, window_bounds = array<i64: 1, 1000, 128>}, {transform_indices = @transform_1, window_bounds = array<i64: 1, 1000, 128>}, {transform_indices = @transform_2, window_bounds = array<i64: 1000, 128>}]} {
    %get3A = arith.constant 0 : index
    %get3A_0 = arith.constant 0 : index
    %get3A_1 = arith.constant 0 : index
    %get3A_2 = vector.load %arg1[%get3A, %get3A_0, %get3A_1] : memref<1x1000x128xf32, #tpu.memory_space<vmem>>, vector<1x1000x128xf32>
    %get3A_3 = vector.shape_cast %get3A_2 : vector<1x1000x128xf32> to vector<1000x128xf32>
    %get3A_4 = arith.constant 0 : index
    %get3A_5 = arith.constant 0 : index
    %get3A_6 = arith.constant 0 : index
    %get3A_7 = vector.load %arg2[%get3A_4, %get3A_5, %get3A_6] : memref<1x1000x128xf32, #tpu.memory_space<vmem>>, vector<1x1000x128xf32>
    %get3A_8 = vector.shape_cast %get3A_7 : vector<1x1000x128xf32> to vector<1000x128xf32>
    %add3A = arith.addf %get3A_3, %get3A_8 : vector<1000x128xf32>
    %swap3A = arith.constant 0 : index
    %swap3A_9 = arith.constant 0 : index
    %swap3A_10 = vector.load %arg3[%swap3A, %swap3A_9] : memref<1000x128xf32, #tpu.memory_space<vmem>>, vector<1000x128xf32>
    tpu.vector_store %arg3[%swap3A, %swap3A_9], %add3A {strides = array<i32>} : memref<1000x128xf32, #tpu.memory_space<vmem>>, vector<1000x128xf32>,
    return
  }
  func.func @transform_0(%arg0: i32) -> (i32, i32, i32) {
    %c0_i32 = arith.constant 0 : i32
    %c0_i32_0 = arith.constant 0 : i32
    %c0_i32_1 = arith.constant 0 : i32
    return %c0_i32, %arg0, %c0_i32_0 : i32, i32, i32
  }
  func.func @transform_1(%arg0: i32) -> (i32, i32, i32) {
    %c1_i32 = arith.constant 1 : i32
    %c0_i32 = arith.constant 0 : i32
    %c0_i32_0 = arith.constant 0 : i32
    return %c1_i32, %arg0, %c0_i32 : i32, i32, i32
  }
  func.func @transform_2(%arg0: i32) -> (i32, i32) {
    %c0_i32 = arith.constant 0 : i32
    %c0_i32_0 = arith.constant 0 : i32
    return %arg0, %c0_i32 : i32, i32
  }
}

</mosaic_0001>

<sc_bundles>
// kernel: kernel.6.cloned.1.call-start
scs
__scs_entry_jumppad:
0x0: {  	(pc) =	sbr.rel $0x88, $3  }
0x1: {  	(tag) =	ssettag $0x0;
	lr =	simm.s32 $0x1  }
0x2: {  	[smem:$0x3F9C] =	sst lr;
	_ =	strace $0xD0000000  }
0x3: {  	_ = 	snop  }
0x4: {  	_ = 	snop  }
0x5: {  	_ = 	snop  }
0x6: {  	_ = 	snop  }
0x7: {  	_ = 	snop  }
__scs_overlays_trampoline_lowered:
0x8: {  	[smem:$0x3FAB] =	sst s0  }
0x9: {  	[smem:$0x3FAC] =	sst s1  }
0xa: {  	[smem:$0x3FAD] =	sst s2  }
0xb: {  	[smem:$0x3FAE] =	sst s3  }
0xc: {  	[smem:$0x3FAF] =	sst s4  }
0xd: {  	[smem:$0x3FB0] =	sst s5  }
0xe: {  	[smem:$0x3FB1] =	sst s6  }
0xf: {  	[smem:$0x3FB2] =	sst s7  }
0x10: {  	[smem:$0x3FB3] =	sst s8  }
0x11: {  	[smem:$0x3FB4] =	sst s9;
	s0 =	simm.s32 @!p0 $0x0  }
0x12: {  	s1 =	sld [smem:$0x3F9A];
	s0 =	simm.s32 @p0 $0x1  }
0x13: {  	[smem:$0x3FB5] =	sst s0;
	s0 =	simm.s32 @!p1 $0x0  }
0x14: {  	s2 =	sld [smem:$0x3F99];
	s0 =	simm.s32 @p1 $0x1  }
0x15: {  	[smem:$0x3FB6] =	sst s0;
	s0 =	simm.s32 @!p2 $0x0  }
0x16: {  	s3 =	sld [smem:$0x3FDB];
	s0 =	simm.s32 @p2 $0x1  }
0x17: {  	s4 =	simm.s32 $0x1BF5;
	[smem:$0x3FB8] =	sst s0  }
0x18: {  	s0 =	sld [smem:$0x3F9B];
	_ =	swait.ge [sflag:s4], $0x0  }
0x19: {  	s7 =	sld [smem:$0x3F9C]  }
0x1a: {  	s8 =	sadd.s32 $0xFFFFE003, lr  }
0x1b: {  	s9 =	sadd.s32 $0xFFFFFEF7, lr;
	s5 =	simm.s32 $0xFFFFFFFF;
	p2 =	slt.u32 s8, $0xFFFFF086  }
0x1c: {  	p1 =	slt.u32 s9, $0xF7A;
	s5 =	simm.s32 @!p2 $0x0  }
0x1d: {  	s5 =	simm.s32 @p1 $0x1;
	p0 =	seq.s32 s7, s2  }
0x1e: {  	s7 =	smul.u32 @!p0 $0xF7A, s2;
	p2 =	seq.s32 @!p0 s5, $0x0  }
0x1f: {  	s9 =	smul.u32 $0xF7A, s1;
	s8 =	simm.s32 @!p0 $0x1BF5;
	p2 =	por !p2, p0  }
0x20: {  	[sflag:s8] =	ssyncset.s32 @!p0 $0xFFFFF086;
	s6 =	sadd.s32 @!p0 s3, s7;
	s7 =	simm.s32 @!p0 $0x108  }
0x21: {  	s3 =	sadd.s32 s3, s9;
	s6 =	sadd.s32 @!p0 $0x88, s6;
	s7 =	simm.s32 @p2 $0x1082  }
0x22: {  	[simem:s7], [sflag:s8] =	dma.local @!p0 [hbm:s6], $0xF7A  }
0x23: {  	s9 =	sor.u32 $0xD0000000, s2;
	s6 =	simm.s32 $0x108;
	_ =	swait.ge @!p0 [sflag:s8], $0x0  }
0x24: {  	s3 =	sadd.s32 $0x88, s3;
	s6 =	simm.s32 @!p1 $0x1082;
	[sflag:s4] =	ssyncset.s32 $0xFFFFF086  }
0x25: {  	[simem:s6], [sflag:s4] =	dma.local [hbm:s3], $0xF7A  }
0x26: {  	[smem:$0x3F9C] =	sst s1;
	(tag) =	ssettag s2;
	_ =	strace s9  }
0x27: {  	s1 =	sld [smem:$0x3FAC]  }
0x28: {  	s2 =	sld [smem:$0x3FAD]  }
0x29: {  	s4 =	sld [smem:$0x3FAF]  }
0x2a: {  	p0 =	seq.s32 s5, $0x0;
	s5 =	sld [smem:$0x3FB0]  }
0x2b: {  	s6 =	sld [smem:$0x3FB1]  }
0x2c: {  	s7 =	sld [smem:$0x3FB2]  }
0x2d: {  	s3 =	simm.s32 $0x108;
	s8 =	sld [smem:$0x3FB3]  }
0x2e: {  	s3 =	simm.s32 @!p0 $0x1082;
	s9 =	sld [smem:$0x3FB4]  }
0x2f: {  	lr =	sadd.s32 s0, s3;
	s0 =	sld [smem:$0x3FAB]  }
0x30: {  	s3 =	sld [smem:$0x3FAE]  }
0x31: {  	[smem:$0x3FB7] =	sst s10  }
0x32: {  	s10 =	sld [smem:$0x3FB5];
	_ =	sdelay $0x3  }
0x33: {  	p0 =	seq.s32 s10, $0x1;
	s10 =	sld [smem:$0x3FB7];
	_ =	sdelay $0x3  }
0x34: {  	[smem:$0x3FB7] =	sst s10  }
0x35: {  	s10 =	sld [smem:$0x3FB6];
	_ =	sdelay $0x3  }
0x36: {  	p1 =	seq.s32 s10, $0x1;
	s10 =	sld [smem:$0x3FB7];
	_ =	sdelay $0x3  }
0x37: {  	[smem:$0x3FB7] =	sst s10  }
0x38: {  	s10 =	sld [smem:$0x3FB8]  }
0x39: {  	_ = 	snop;
	(pc) =	sbr.ind lr, $3  }
0x3a: {  	_ = 	snop  }
0x3b: {  	_ = 	snop  }
0x3c: {  	p2 =	seq.s32 s10, $0x1;
	s10 =	sld [smem:$0x3FB7]  }
0x3d: {  	_ =	shalt  }
0x3e: {  	_ =	shalt  }
0x3f: {  	_ =	shalt  }
0x40: {  	_ =	shalt  }
0x41: {  	_ =	shalt  }
0x42: {  	_ =	shalt  }
0x43: {  	_ =	shalt  }
0x44: {  	_ =	shalt  }
0x45: {  	_ =	shalt  }
0x46: {  	_ =	shalt  }
0x47: {  	_ =	shalt  }
0x48: {  	_ =	shalt  }
0x49: {  	_ =	shalt  }
0x4a: {  	_ =	shalt  }
0x4b: {  	_ =	shalt  }
0x4c: {  	_ =	shalt  }
0x4d: {  	_ =	shalt  }
0x4e: {  	_ =	shalt  }
0x4f: {  	_ =	shalt  }
0x50: {  	_ =	shalt  }
0x51: {  	_ =	shalt  }
0x52: {  	_ =	shalt  }
0x53: {  	_ =	shalt  }
0x54: {  	_ =	shalt  }
0x55: {  	_ =	shalt  }
0x56: {  	_ =	shalt  }
0x57: {  	_ =	shalt  }
0x58: {  	_ =	shalt  }
0x59: {  	_ =	shalt  }
0x5a: {  	_ =	shalt  }
0x5b: {  	_ =	shalt  }
0x5c: {  	_ =	shalt  }
0x5d: {  	_ =	shalt  }
0x5e: {  	_ =	shalt  }
0x5f: {  	_ =	shalt  }
0x60: {  	_ =	shalt  }
0x61: {  	_ =	shalt  }
0x62: {  	_ =	shalt  }
0x63: {  	_ =	shalt  }
0x64: {  	_ =	shalt  }
0x65: {  	_ =	shalt  }
0x66: {  	_ =	shalt  }
0x67: {  	_ =	shalt  }
0x68: {  	_ =	shalt  }
0x69: {  	_ =	shalt  }
0x6a: {  	_ =	shalt  }
0x6b: {  	_ =	shalt  }
0x6c: {  	_ =	shalt  }
0x6d: {  	_ =	shalt  }
0x6e: {  	_ =	shalt  }
0x6f: {  	_ =	shalt  }
0x70: {  	_ =	shalt  }
0x71: {  	_ =	shalt  }
0x72: {  	_ =	shalt  }
0x73: {  	_ =	shalt  }
0x74: {  	_ =	shalt  }
0x75: {  	_ =	shalt  }
0x76: {  	_ =	shalt  }
0x77: {  	_ =	shalt  }
0x78: {  	_ =	shalt  }
0x79: {  	_ =	shalt  }
0x7a: {  	_ =	shalt  }
0x7b: {  	_ =	shalt  }
0x7c: {  	_ =	shalt  }
0x7d: {  	_ =	shalt  }
0x7e: {  	_ =	shalt  }
0x7f: {  	_ =	shalt  }
0x80: {  	_ =	shalt  }
0x81: {  	_ =	shalt  }
0x82: {  	_ =	shalt  }
0x83: {  	_ =	shalt  }
0x84: {  	_ =	shalt  }
0x85: {  	_ =	shalt  }
0x86: {  	_ =	shalt  }
0x87: {  	_ =	shalt  }
.Lfunc_end0:
.L_simem_size_0:
called_computation_lowered:
.L_overlay_start_0:
0x88: {  	s2 =	sld [smem:$0x3FD9]  }
0x89: {  	s3 =	sld [smem:$0x3FFE];
	_ =	sdelay $0x1  }
0x8a: {  	s1 =	srdreg.scid  }
0x8b: {  	s0 =	sand.u32 $0x1, s1  }
0x8c: {  	s17 =	sshll.u32 s0, $0xA;
	s2 =	sadd.s32 s3, s2  }
0x8d: {  	s2 =	sadd.s32 s2, s17  }
0x8e: {  	[smem:$0x3FC3] =	sst s2  }
0x8f: {  	_ = 	snop  }
0x90: {  	s2 =	sld [smem:$0x3FD0];
	(tm) =	ssettm $0x1  }
0x91: {  	s18 =	sld [smem:$0x3FFB];
	_ =	sdelay $0x3  }
0x92: {  	_ =	strace s18  }
0x93: {  	s3 =	sld [smem:$0x3FFC];
	_ =	sdelay $0x3  }
0x94: {  	_ =	strace s3  }
0x95: {  	s3 =	sld [smem:$0x3FFD];
	_ =	sdelay $0x3  }
0x96: {  	_ =	strace s3  }
0x97: {  	_ =	strace $0x8FFFFFFF  }
0x98: {  	s19 =	sld [smem:$0x3FDB];
	_ =	sdelay $0x1  }
0x99: {  	s4 =	simm.s32 $_scs_section_size  }
0x9a: {  	s5 =	simm.s32 $_size__tile_overlayer_lowered;
	s6 =	simm.s32 $_tile_overlayer_lowered  }
0x9b: {  	s22 =	simm.s32 $0x1BFF;
	s21 =	sshll.u32 s6, $0x1;
	s3 =	sadd.s32 s4, s19  }
0x9c: {  	s7 =	simm.s32 $0x0;
	s20 =	sshll.u32 s5, $0x1;
	s5 =	sadd.s32 s21, s3  }
0x9d: {  	[timem:s7], [sflag:s22] =	dma.local [hbm:s5], s20  }
0x9e: {  	_ =	swait.ge [sflag:s22], s20  }
0x9f: {  	s4 =	ssub.s32 $0x0, s20;
	[sflag:s22] =	ssyncset.done $0x0  }
0xa0: {  	[sflag:s22] =	ssyncadd.s32 s4;
	_ =	sdelay $0x1  }
0xa1: {  	s23 =	simm.s32 $0x1B8B  }
0xa2: {  	_ =	swait.ge [sflag:s23], $0x1  }
0xa3: {  	[sflag:s23] =	ssyncset.done $0x0  }
0xa4: {  	s25 =	simm.s32 $0x1B8E;
	s24 =	sld [smem:$0x3FFE];
	[sflag:s23] =	ssyncadd.s32 $0xFFFFFFFF  }
0xa5: {  	s26 =	simm.s32 $execute0_lowered;
	[smem:$0x3FD2] =	sst s25  }
0xa6: {  	s5 =	sshll.u32 s26, $0x1;
	_ =	strace $0x80000046;
	[dreg:$0x1] =	wrdreg $0xFFFFFFFF  }
0xa7: {  	s28 =	simm.s32 $_size_execute0_lowered;
	s3 =	sadd.s32 s3, s5;
	[dreg:$0x0] =	wrdreg $0x0  }
0xa8: {  	s5 =	sshll.u32 s28, $0x1;
	[dreg:$0x2] =	wrdreg s3  }
0xa9: {  	[dreg:$0x3] =	wrdreg s5  }
0xaa: {  	[dreg:$0x4] =	wrdreg $0xC0  }
0xab: {  	_ =	task [dreg:s7], $0x5FFFF  }
0xac: {  	[dreg:$0x1] =	wrdreg $0xFFFFFFFF  }
0xad: {  	[dreg:$0x0] =	wrdreg $0x60  }
0xae: {  	[dreg:$0x2] =	wrdreg s24  }
0xaf: {  	[dreg:$0x3] =	wrdreg s2  }
0xb0: {  	[dreg:$0x4] =	wrdreg $0x62000  }
0xb1: {  	[dreg:$0x5] =	wrdreg $0x9  }
0xb2: {  	_ =	task.clear_ibuf [dreg:s7], $0x6FFFF;
	_ =	strace $0x90000046  }
0xb3: {  	s29 =	simm.s32 $0x9;
	_ =	strace $0x80000048  }
0xb4: {  	_ =	swait.ge [sflag:s29], $0x1  }
0xb5: {  	[sflag:s29] =	ssyncadd.s32 $0xFFFFFFFF  }
0xb6: {  	_ =	strace $0x90000048  }
0xb7: {  	_ =	sfence  }
0xb8: {  	s30 =	sld [smem:$0x0];
	_ =	sdelay $0x2  }
0xb9: {  	s31 =	sshll.u32 s1, $0xD;
	s1 =	sshrl.u32 s1, $0x2  }
0xba: {  	s3 =	sand.u32 $0x4000, s31;
	s1 =	sadd.s32 s1, s30  }
0xbb: {  	s0 =	sor.u32 s3, s0;
	s1 =	sshll.u32 s1, $0x11  }
0xbc: {  	s0 =	sor.u32 s1, s0  }
0xbd: {  	s0 =	sadd.s32 $0x8F2B, s0  }
0xbe: {  	[sflag:s0] =	ssyncadd.remote.s32 $0x1  }
0xbf: {  	_ =	sfence.sel $0xFFFF  }
0xc0: {  	[dreg:$0x0] =	wrdreg $0xFFFFFFFF;
	(pc) =	sbr.abs _section_cstart, $3  }
0xc1: {  	[dreg:$0x1] =	wrdreg $0xFFFFFFFF  }
0xc2: {  	_ =	task.clear_ibuf [dreg:s7], $0x2FFFF;
	_ =	strace $0x9FFFFFFF  }
0xc3: {  	(tm) =	ssettm $0x7FFFFFFF  }
tec
execute0_lowered:
.L_overlay_start_1:
0x0: {  	(tag) =	ssettag $0x1  }
0x1: {  	s0 =	rddreg [dreg:$0x0]  }
0x2: {  	s2 =	rddreg [dreg:$0x1]  }
0x3: {  	s1 =	rddreg [dreg:$0x2]  }
0x4: {  	s3 =	simm.s32 $0x0;
	s4 =	srdreg.scid;
	s15 =	stileid.u32  }
0x5: {  	s28 =	simm.s32 $0x180;
	s29 =	simm.s32 $0x3200;
	s7 =	smul.u32 $0x13C00, s15  }
0x6: {  	s30 =	simm.s32 $0x1;
	s31 =	simm.s32 $0x2;
	s11 =	smul.u32 $0x4F000, s15  }
0x7: {  	[smem:$0x7FF] =	sst s3;
	s8 =	sand.u32 $0x1, s4;
	s14 =	smul.u32 $0x60, s15  }
0x8: {  	s4 =	sadd.s32 $0xA00, s0;
	s9 =	sadd.s32 $0x139200, s0;
	s17 =	smul.u32 $0xC, s15  }
0x9: {  	s5 =	sadd.s32 $0x14CE00, s0;
	s21 =	sshll.u32 s15, $0x6;
	s6 =	smul.u32 $0x13C000, s8  }
0xa: {  	_ =	strace $0x80000047;
	s18 =	ssub.s32 $0x2, s8;
	s13 =	smul.u32 $0x600, s8  }
0xb: {  	s19 =	sshll.u32 s8, $0x4;
	s8 =	smul.u32 $0xC0, s8;
	s10 =	sshrl.u32 s18, $0x1  }
0xc: {  	s12 =	sor.u32 s15, s19;
	s20 =	sshrl.u32 s11, $0x2;
	s6 =	sadd.s32 s7, s6  }
0xd: {  	s10 =	ssub.s32 s18, s10;
	s7 =	sor.u32 $0x1C03, s21;
	s22 =	smul.u32 $0x60, s12  }
0xe: {  	s12 =	smul.u32 $0xC, s12;
	s13 =	sadd.s32 s14, s13;
	s25 =	sadd.s32 s8, s2  }
0xf: {  	s8 =	sadd.s32 s8, s9;
	s18 =	simm.s32 $0x3;
	s6 =	sshrl.u32 s6, $0x3  }
0x10: {  	s24 =	sadd.s32 $0xC00, s13;
	s13 =	smax.u32 s10, $0x1;
	s10 =	sadd.s32 s17, s25  }
0x11: {  	s26 =	sadd.s32 s17, s8;
	s25 =	simm.s32 $0x200;
	s0 =	sadd.s32 s6, s0  }
0x12: {  	s6 =	sadd.s32 s20, s1;
	s11 =	sshrl.u32 s22, $0x3;
	s16 =	sadd.s32 s2, s12  }
0x13: {  	s12 =	sadd.s32 s9, s12;
	s17 =	sadd.s32 $0x300, s26;
	s26 =	simm.s32 $0x100  }
0x14: {  	s19 =	sadd.s32 $0x4000, s6;
	s20 =	sadd.s32 $0x8000, s6;
	s21 =	sadd.s32 $0xC000, s6  }
0x15: {  	s22 =	sadd.s32 $0x10000, s6;
	s11 =	sadd.s32 $0x13980, s11;
	[dreg:$0x4] =	wrdreg s16  }
0x16: {  	[dreg:$0x5] =	wrdreg s12;
	s0 =	sadd.s32 $0x14D600, s0;
	s16 =	sadd.s32 $0x300, s10  }
0x17: {  	s23 =	sadd.s32 s2, s11;
	s11 =	sadd.s32 s9, s11;
	[dreg:$0x8] =	wrdreg s0  }
0x18: {  	s0 =	sshrl.u32 s24, $0x3;
	s19 =	sshrl.u32 s19, $0x3;
	s20 =	sshrl.u32 s20, $0x3  }
0x19: {  	s21 =	sshrl.u32 s21, $0x3;
	s22 =	sshrl.u32 s22, $0x3;
	[dreg:$0x6] =	wrdreg s23  }
0x1a: {  	s24 =	simm.s32 $0x60;
	[dreg:$0x7] =	wrdreg s11;
	s14 =	sadd.s32 s0, s9  }
0x1b: {  	s15 =	sadd.s32 s0, s2;
	s23 =	simm.s32 $0x80;
	s0 =	simm.s32 $0x0  }
.LBB2_1:
0x1c: {  	s2 =	sshrl.u32 s6, $0x3  }
0x1d: {  	[spmem:s2], [sflag:s7] =	dma.local [hbm:s5], $0x800  }
0x1e: {  	_ =	swait.ge [sflag:s18], $0x800  }
0x1f: {  	[sflag:s18] =	ssyncset.done $0x0  }
0x20: {  	[sflag:s18] =	ssyncadd.s32 $0xFFFFF800  }
0x21: {  	[spmem:s19], [sflag:s7] =	dma.local [hbm:s5], $0x800  }
0x22: {  	_ =	swait.ge [sflag:s18], $0x800  }
0x23: {  	[sflag:s18] =	ssyncset.done $0x0  }
0x24: {  	[sflag:s18] =	ssyncadd.s32 $0xFFFFF800  }
0x25: {  	[spmem:s20], [sflag:s7] =	dma.local [hbm:s5], $0x800  }
0x26: {  	_ =	swait.ge [sflag:s18], $0x800  }
0x27: {  	[sflag:s18] =	ssyncset.done $0x0  }
0x28: {  	[sflag:s18] =	ssyncadd.s32 $0xFFFFF800  }
0x29: {  	[spmem:s21], [sflag:s7] =	dma.local [hbm:s5], $0x800  }
0x2a: {  	_ =	swait.ge [sflag:s18], $0x800  }
0x2b: {  	[sflag:s18] =	ssyncset.done $0x0  }
0x2c: {  	[sflag:s18] =	ssyncadd.s32 $0xFFFFF800  }
0x2d: {  	[spmem:s22], [sflag:s7] =	dma.local [hbm:s5], $0x780  }
0x2e: {  	_ =	swait.ge [sflag:s18], $0x780  }
0x2f: {  	[sflag:s18] =	ssyncset.done $0x0  }
0x30: {  	[sflag:s18] =	ssyncadd.s32 $0xFFFFF880  }
0x31: {  	[bflag:$0x0] =	sbarrier.arrive $0xFFFF  }
0x32: {  	s8 =	rddreg [dreg:$0x4]  }
0x33: {  	[tilespmem:s3], [sflag:$0x3] =	stream.linear.gather [hbm4b:s8+s3], $0x60, $0x38;
	[tilespmem:$0x19E00] =	vst v63  }
0x34: {  	_ =	swait.ge [sflag:s18], $0x60  }
0x35: {  	[sflag:s18] =	ssyncset.done $0x0  }
0x36: {  	s12 =	rddreg [dreg:$0x5];
	[sflag:s18] =	ssyncadd.s32 $0xFFFFFFA0  }
0x37: {  	[tilespmem:s23], [sflag:$0x3] =	stream.linear.gather [hbm4b:s12+s3], $0x60, $0x38;
	[tilespmem:$0x19E00] =	vst v63  }
0x38: {  	_ =	swait.ge [sflag:s18], $0x60  }
0x39: {  	[sflag:s18] =	ssyncset.done $0x0  }
0x3a: {  	[sflag:s18] =	ssyncadd.s32 $0xFFFFFFA0  }
0x3b: {  	[tilespmem:s25], [sflag:$0x1] =	stream.indirect.gather [hbm4b:s4+s24], $0x80, s3, s24, $0xb8;
	[tilespmem:$0x19E00] =	vst v63  }
0x3c: {  	s9 =	sadd.s32 $0x0, s15  }
0x3d: {  	[tilespmem:s26], [sflag:$0x3] =	stream.linear.gather [hbm4b:s9+s3], $0x60, $0x38;
	[tilespmem:$0x19E00] =	vst v63  }
0x3e: {  	_ =	swait.ge [sflag:s18], $0x60  }
0x3f: {  	[sflag:s18] =	ssyncset.done $0x0  }
0x40: {  	s10 =	sadd.s32 $0x0, s14;
	[sflag:s18] =	ssyncadd.s32 $0xFFFFFFA0  }
0x41: {  	[tilespmem:s28], [sflag:$0x3] =	stream.linear.gather [hbm4b:s10+s3], $0x60, $0x38;
	[tilespmem:$0x19E00] =	vst v63  }
0x42: {  	_ =	swait.ge [sflag:s18], $0x60  }
0x43: {  	[sflag:s18] =	ssyncset.done $0x0  }
0x44: {  	[sflag:s18] =	ssyncadd.s32 $0xFFFFFFA0  }
0x45: {  	[tilespmem:s29], [sflag:$0x2] =	stream.indirect.gather [hbm4b:s4+s24], $0x80, s26, s24, $0xb8;
	[tilespmem:$0x19E00] =	vst v63  }
0x46: {  	_ =	swait.ge [sflag:s30], $0x3000  }
0x47: {  	[sflag:s30] =	ssyncset.done $0x0  }
0x48: {  	[sflag:s30] =	ssyncadd.s32 $0xFFFFD000  }
0x49: {  	[spmem:s1] =	stream.indirect.scatter.add.f32 [tilespmem:s25], [sflag:$0x3], $0x80, s23, s24, $0xb8;
	[tilespmem:$0x19E00] =	vst v63  }
0x4a: {  	_ =	swait.ge [sflag:s18], $0x3000  }
0x4b: {  	[sflag:s18] =	ssyncset.done $0x0  }
0x4c: {  	s11 =	sadd.s32 $0x0, s16;
	[sflag:s18] =	ssyncadd.s32 $0xFFFFD000  }
0x4d: {  	[tilespmem:s3], [sflag:$0x3] =	stream.linear.gather [hbm4b:s11+s3], $0x60, $0x38;
	[tilespmem:$0x19E00] =	vst v63  }
0x4e: {  	_ =	swait.ge [sflag:s18], $0x60  }
0x4f: {  	[sflag:s18] =	ssyncset.done $0x0  }
0x50: {  	s12 =	sadd.s32 $0x0, s17;
	[sflag:s18] =	ssyncadd.s32 $0xFFFFFFA0  }
0x51: {  	[tilespmem:s23], [sflag:$0x3] =	stream.linear.gather [hbm4b:s12+s3], $0x60, $0x38;
	[tilespmem:$0x19E00] =	vst v63  }
0x52: {  	_ =	swait.ge [sflag:s18], $0x60  }
0x53: {  	[sflag:s18] =	ssyncset.done $0x0  }
0x54: {  	[sflag:s18] =	ssyncadd.s32 $0xFFFFFFA0  }
0x55: {  	[tilespmem:s25], [sflag:$0x1] =	stream.indirect.gather [hbm4b:s4+s24], $0x80, s3, s24, $0xb8;
	[tilespmem:$0x19E00] =	vst v63  }
0x56: {  	_ =	swait.ge [sflag:s31], $0x3000  }
0x57: {  	[sflag:s31] =	ssyncset.done $0x0  }
0x58: {  	[sflag:s31] =	ssyncadd.s32 $0xFFFFD000  }
0x59: {  	[spmem:s1] =	stream.indirect.scatter.add.f32 [tilespmem:s29], [sflag:$0x3], $0x80, s28, s24, $0xb8;
	[tilespmem:$0x19E00] =	vst v63  }
0x5a: {  	_ =	swait.ge [sflag:s18], $0x3000  }
0x5b: {  	s8 =	simm.s32 $0x300;
	s9 =	simm.s32 $0x600;
	[sflag:s18] =	ssyncset.done $0x0  }
.LBB2_2:
0x5c: {  	s11 =	sadd.s32 s8, s15  }
0x5d: {  	[sflag:s18] =	ssyncadd.s32 $0xFFFFD000;
	s12 =	smov.u32 s9;
	s10 =	sadd.s32 $0x300, s9  }
0x5e: {  	[tilespmem:s26], [sflag:$0x3] =	stream.linear.gather [hbm4b:s11+s3], $0x60, $0x38;
	[tilespmem:$0x19E00] =	vst v63  }
0x5f: {  	p0 =	sne.s32 s9, $0x13500;
	_ =	swait.ge [sflag:s18], $0x60  }
0x60: {  	[sflag:s18] =	ssyncset.done $0x0  }
0x61: {  	s9 =	sadd.s32 s8, s14;
	[sflag:s18] =	ssyncadd.s32 $0xFFFFFFA0  }
0x62: {  	[tilespmem:s28], [sflag:$0x3] =	stream.linear.gather [hbm4b:s9+s3], $0x60, $0x38;
	[tilespmem:$0x19E00] =	vst v63  }
0x63: {  	_ =	swait.ge [sflag:s18], $0x60  }
0x64: {  	[sflag:s18] =	ssyncset.done $0x0  }
0x65: {  	[sflag:s18] =	ssyncadd.s32 $0xFFFFFFA0  }
0x66: {  	[tilespmem:s29], [sflag:$0x2] =	stream.indirect.gather [hbm4b:s4+s24], $0x80, s26, s24, $0xb8;
	[tilespmem:$0x19E00] =	vst v63  }
0x67: {  	_ =	swait.ge [sflag:s30], $0x3000  }
0x68: {  	[sflag:s30] =	ssyncset.done $0x0  }
0x69: {  	[sflag:s30] =	ssyncadd.s32 $0xFFFFD000  }
0x6a: {  	[spmem:s1] =	stream.indirect.scatter.add.f32 [tilespmem:s25], [sflag:$0x3], $0x80, s23, s24, $0xb8;
	[tilespmem:$0x19E00] =	vst v63  }
0x6b: {  	_ =	swait.ge [sflag:s18], $0x3000  }
0x6c: {  	[sflag:s18] =	ssyncset.done $0x0  }
0x6d: {  	s9 =	sadd.s32 s8, s16;
	[sflag:s18] =	ssyncadd.s32 $0xFFFFD000  }
0x6e: {  	[tilespmem:s3], [sflag:$0x3] =	stream.linear.gather [hbm4b:s9+s3], $0x60, $0x38;
	[tilespmem:$0x19E00] =	vst v63  }
0x6f: {  	_ =	swait.ge [sflag:s18], $0x60  }
0x70: {  	[sflag:s18] =	ssyncset.done $0x0  }
0x71: {  	s9 =	sadd.s32 s8, s17;
	s8 =	smov.u32 s12;
	[sflag:s18] =	ssyncadd.s32 $0xFFFFFFA0  }
0x72: {  	[tilespmem:s23], [sflag:$0x3] =	stream.linear.gather [hbm4b:s9+s3], $0x60, $0x38;
	[tilespmem:$0x19E00] =	vst v63  }
0x73: {  	_ =	swait.ge [sflag:s18], $0x60  }
0x74: {  	[sflag:s18] =	ssyncset.done $0x0  }
0x75: {  	[sflag:s18] =	ssyncadd.s32 $0xFFFFFFA0  }
0x76: {  	[tilespmem:s25], [sflag:$0x1] =	stream.indirect.gather [hbm4b:s4+s24], $0x80, s3, s24, $0xb8;
	[tilespmem:$0x19E00] =	vst v63  }
0x77: {  	_ =	swait.ge [sflag:s31], $0x3000  }
.Ltmp0:
0x78: {  	[sflag:s31] =	ssyncset.done $0x0;
	(pc) =	sbr.rel @p0 .LBB2_2-.Ltmp0, $4  }
0x79: {  	[sflag:s31] =	ssyncadd.s32 $0xFFFFD000  }
0x7a: {  	[spmem:s1] =	stream.indirect.scatter.add.f32 [tilespmem:s29], [sflag:$0x3], $0x80, s28, s24, $0xb8;
	[tilespmem:$0x19E00] =	vst v63  }
0x7b: {  	_ =	swait.ge [sflag:s18], $0x3000  }
0x7c: {  	s9 =	smov.u32 s10;
	[sflag:s18] =	ssyncset.done $0x0  }
0x7d: {  	s9 =	sadd.s32 s8, s15;
	[sflag:s18] =	ssyncadd.s32 $0xFFFFD000  }
0x7e: {  	[tilespmem:s26], [sflag:$0x3] =	stream.linear.gather [hbm4b:s9+s3], $0x60, $0x38;
	[tilespmem:$0x19E00] =	vst v63  }
0x7f: {  	_ =	swait.ge [sflag:s18], $0x60  }
0x80: {  	[sflag:s18] =	ssyncset.done $0x0  }
0x81: {  	s11 =	sadd.s32 s8, s14;
	[sflag:s18] =	ssyncadd.s32 $0xFFFFFFA0  }
0x82: {  	[tilespmem:s28], [sflag:$0x3] =	stream.linear.gather [hbm4b:s11+s3], $0x60, $0x38;
	[tilespmem:$0x19E00] =	vst v63  }
0x83: {  	_ =	swait.ge [sflag:s18], $0x60  }
0x84: {  	[sflag:s18] =	ssyncset.done $0x0  }
0x85: {  	[sflag:s18] =	ssyncadd.s32 $0xFFFFFFA0  }
0x86: {  	[tilespmem:s29], [sflag:$0x2] =	stream.indirect.gather [hbm4b:s4+s24], $0x80, s26, s24, $0xb8;
	[tilespmem:$0x19E00] =	vst v63  }
0x87: {  	_ =	swait.ge [sflag:s30], $0x3000  }
0x88: {  	[sflag:s30] =	ssyncset.done $0x0  }
0x89: {  	[sflag:s30] =	ssyncadd.s32 $0xFFFFD000  }
0x8a: {  	[spmem:s1] =	stream.indirect.scatter.add.f32 [tilespmem:s25], [sflag:$0x3], $0x80, s23, s24, $0xb8;
	[tilespmem:$0x19E00] =	vst v63  }
0x8b: {  	_ =	swait.ge [sflag:s18], $0x3000  }
0x8c: {  	[sflag:s18] =	ssyncset.done $0x0  }
0x8d: {  	s12 =	sadd.s32 s8, s16;
	[sflag:s18] =	ssyncadd.s32 $0xFFFFD000  }
0x8e: {  	[tilespmem:s3], [sflag:$0x3] =	stream.linear.gather [hbm4b:s12+s3], $0x60, $0x38;
	[tilespmem:$0x19E00] =	vst v63  }
0x8f: {  	_ =	swait.ge [sflag:s18], $0x60  }
0x90: {  	[sflag:s18] =	ssyncset.done $0x0  }
0x91: {  	s9 =	sadd.s32 s8, s17;
	[sflag:s18] =	ssyncadd.s32 $0xFFFFFFA0  }
0x92: {  	[tilespmem:s23], [sflag:$0x3] =	stream.linear.gather [hbm4b:s9+s3], $0x60, $0x38;
	[tilespmem:$0x19E00] =	vst v63  }
0x93: {  	_ =	swait.ge [sflag:s18], $0x60  }
0x94: {  	[sflag:s18] =	ssyncset.done $0x0  }
0x95: {  	[sflag:s18] =	ssyncadd.s32 $0xFFFFFFA0  }
0x96: {  	[tilespmem:s25], [sflag:$0x1] =	stream.indirect.gather [hbm4b:s4+s24], $0x80, s3, s24, $0xb8;
	[tilespmem:$0x19E00] =	vst v63  }
0x97: {  	_ =	swait.ge [sflag:s31], $0x3000  }
0x98: {  	[sflag:s31] =	ssyncset.done $0x0  }
0x99: {  	[sflag:s31] =	ssyncadd.s32 $0xFFFFD000  }
0x9a: {  	[spmem:s1] =	stream.indirect.scatter.add.f32 [tilespmem:s29], [sflag:$0x3], $0x80, s28, s24, $0xb8;
	[tilespmem:$0x19E00] =	vst v63  }
0x9b: {  	_ =	swait.ge [sflag:s18], $0x3000  }
0x9c: {  	[sflag:s18] =	ssyncset.done $0x0  }
0x9d: {  	s10 =	rddreg [dreg:$0x6];
	[sflag:s18] =	ssyncadd.s32 $0xFFFFD000  }
0x9e: {  	[tilespmem:s26], [sflag:$0x3] =	stream.linear.gather [hbm4b:s10+s3], $0x60, $0x38;
	[tilespmem:$0x19E00] =	vst v63  }
0x9f: {  	_ =	swait.ge [sflag:s18], $0x60  }
0xa0: {  	[sflag:s18] =	ssyncset.done $0x0  }
0xa1: {  	s11 =	rddreg [dreg:$0x7];
	[sflag:s18] =	ssyncadd.s32 $0xFFFFFFA0  }
0xa2: {  	[tilespmem:s28], [sflag:$0x3] =	stream.linear.gather [hbm4b:s11+s3], $0x60, $0x38;
	[tilespmem:$0x19E00] =	vst v63  }
0xa3: {  	_ =	swait.ge [sflag:s18], $0x60  }
0xa4: {  	[sflag:s18] =	ssyncset.done $0x0  }
0xa5: {  	[sflag:s18] =	ssyncadd.s32 $0xFFFFFFA0  }
0xa6: {  	[tilespmem:s29], [sflag:$0x2] =	stream.indirect.gather [hbm4b:s4+s24], $0x80, s26, s24, $0xb8;
	[tilespmem:$0x19E00] =	vst v63  }
0xa7: {  	_ =	swait.ge [sflag:s30], $0x3000  }
0xa8: {  	[sflag:s30] =	ssyncset.done $0x0  }
0xa9: {  	[sflag:s30] =	ssyncadd.s32 $0xFFFFD000  }
0xaa: {  	[spmem:s1] =	stream.indirect.scatter.add.f32 [tilespmem:s25], [sflag:$0x3], $0x80, s23, s24, $0xb8;
	[tilespmem:$0x19E00] =	vst v63  }
0xab: {  	_ =	swait.ge [sflag:s18], $0x3000  }
0xac: {  	[sflag:s18] =	ssyncset.done $0x0  }
0xad: {  	[sflag:s18] =	ssyncadd.s32 $0xFFFFD000  }
0xae: {  	_ =	swait.ge [sflag:s31], $0x3000  }
0xaf: {  	[sflag:s31] =	ssyncset.done $0x0  }
0xb0: {  	[sflag:s31] =	ssyncadd.s32 $0xFFFFD000  }
0xb1: {  	[spmem:s1] =	stream.indirect.scatter.add.f32 [tilespmem:s29], [sflag:$0x3], $0x80, s28, s24, $0xb8;
	[tilespmem:$0x19E00] =	vst v63  }
0xb2: {  	_ =	swait.ge [sflag:s18], $0x3000  }
0xb3: {  	[sflag:s18] =	ssyncset.done $0x0  }
0xb4: {  	s0 =	sadd.s32 $0x1, s0;
	[sflag:s18] =	ssyncadd.s32 $0xFFFFD000  }
0xb5: {  	p0 =	sne.s32 s0, s13;
	[bflag:$0x0] =	sbarrier.arrive $0xFFFF  }
.Ltmp1:
0xb6: {  	s12 =	rddreg [dreg:$0x8];
	(pc) =	sbr.rel @p0 .LBB2_1-.Ltmp1, $4  }
0xb7: {  	[hbm:s12], [sflag:s7] =	dma.local [spmem:s2], $0x2780  }
0xb8: {  	_ =	swait.ge [sflag:s18], $0x2780  }
0xb9: {  	[sflag:s18] =	ssyncset.done $0x0  }
0xba: {  	[sflag:s18] =	ssyncadd.s32 $0xFFFFD880  }
0xbb: {  	_ =	sfence.sel $0x180000  }
0xbc: {  	[bflag:$0x0] =	sbarrier.arrive $0xFFFF  }
0xbd: {  	_ =	strace $0x90000047  }
0xbe: {  	s0 =	stileid.u32;
	[bflag:$0x2] =	sbarrier.arrive $0xFFFF  }
0xbf: {  	p0 =	sne.s32 s0, $0x0;
	s0 =	rddreg [dreg:$0x3]  }
0xc0: {  	s0 =	sadd.s32 @!p0 $0x100000, s0  }
0xc1: {  	[sflag:s0] =	ssyncadd.tile.s32 @!p0 $0x1;
	_ =	shalt  }
.Lfunc_end2:
_tile_overlayer_lowered:
.L_overlay_start_2:
0xc2: {  	(tag) =	ssettag $0x2  }
0xc3: {  	s0 =	rddreg [dreg:$0x0];
	s2 =	stileid.u32  }
0xc4: {  	s1 =	rddreg [dreg:$0x1];
	p0 =	sne.s32 s2, $0x0  }
0xc5: {  	s3 =	rddreg [dreg:$0x2];
	[bflag:$0x3] =	sbarrier.arrive $0xFFFF;
	s2 =	simm.s32 @!p0 $0x1C03  }
0xc6: {  	[timem:s3], [sflag:s2] =	dma.local @!p0 [hbm:s0], s1  }
0xc7: {  	s0 =	simm.s32 @!p0 $0x3  }
0xc8: {  	_ =	swait.ge @!p0 [sflag:s0], s1  }
0xc9: {  	s1 =	ssub.s32 @!p0 $0x0, s1;
	[sflag:s0] =	ssyncset.done @!p0 $0x0  }
0xca: {  	[sflag:s0] =	ssyncadd.s32 @!p0 s1  }
0xcb: {  	[bflag:$0x3] =	sbarrier.arrive $0xFFFF  }
0xcc: {  	_ =	shalt  }

</sc_bundles>
